<compile_context>
chip_gen: v7x
topology: tpu7x:2x2x1
jax: 0.10.2.dev20260603
libtpu: 0.0.44.dev20260713+nightly
codegen_flags: <defaults>
</compile_context>

<pallas_src>
import jax
import jax.numpy as jnp
from jax import lax
from jax.experimental import pallas as pl
from jax.experimental.pallas import tpu as pltpu
from jax.experimental.pallas import tpu_sc as plsc

N = 10000
D = 128
E = 320000

NC = 2
NS = 16
LANE = 128
N_PAD = 10240
ROWS_PER_TILE = N_PAD // NS
WB = ROWS_PER_TILE // 128
K = -(-E // (NC * NS * LANE))
E_PAD = NC * NS * K * LANE
F32 = jnp.float32


def _sc_scatter():
    mesh = plsc.VectorSubcoreMesh(core_axis_name="c", subcore_axis_name="s")

    def body(table, src3, z128, acc_out, acc, sdall, rows, sem, sem2):
        c = lax.axis_index("c")
        s = lax.axis_index("s")
        wid = c * NS + s
        base = s * ROWS_PER_TILE

        pltpu.sync_copy(src3.at[wid], sdall)
        pltpu.sync_copy(z128, rows)
        for j in range(WB):
            pltpu.sync_copy(rows, acc.at[pl.ds(base + j * 128, 128)])
        plsc.subcore_barrier()

        def chunk(cc, carry):
            pltpu.async_copy(table.at[sdall.at[cc, 0]], rows, sem).wait()
            pltpu.async_copy(rows, acc.at[sdall.at[cc, 1]], sem2,
                             add=True).wait()
            return carry

        lax.fori_loop(0, K, chunk, 0)
        plsc.subcore_barrier()

        for j in range(WB):
            off = base + j * 128
            pltpu.sync_copy(acc.at[pl.ds(off, 128)], rows)
            pltpu.sync_copy(rows, acc_out.at[c, pl.ds(off, 128)])

    return pl.kernel(
        body,
        out_type=[jax.ShapeDtypeStruct((NC, N_PAD, D), F32)],
        mesh=mesh,
        scratch_types=[
            pltpu.VMEM_SHARED((N_PAD, D), F32),
            pltpu.VMEM((K, 2, LANE), jnp.int32),
            pltpu.VMEM((LANE, D), F32),
            pltpu.SemaphoreType.DMA,
            pltpu.SemaphoreType.DMA,
        ])


def _sc_count():
    mesh = plsc.VectorSubcoreMesh(core_axis_name="c", subcore_axis_name="s")

    def body(dst3, z128, o128, cnt_out, acc, dall, rows, sem2):
        c = lax.axis_index("c")
        s = lax.axis_index("s")
        wid = c * NS + s
        base = s * ROWS_PER_TILE

        pltpu.sync_copy(z128, rows)
        for j in range(WB):
            pltpu.sync_copy(rows, acc.at[pl.ds(base + j * 128, 128)])
        plsc.subcore_barrier()

        pltpu.sync_copy(o128, rows)
        pltpu.sync_copy(dst3.at[wid], dall)

        def chunk(cc, carry):
            pltpu.async_copy(rows, acc.at[dall.at[cc]], sem2,
                             add=True).wait()
            return carry

        lax.fori_loop(0, K, chunk, 0)
        plsc.subcore_barrier()

        for j in range(WB):
            off = base + j * 128
            pltpu.sync_copy(acc.at[pl.ds(off, 128)], rows)
            pltpu.sync_copy(rows, cnt_out.at[c, pl.ds(off, 128)])

    return pl.kernel(
        body,
        out_type=[jax.ShapeDtypeStruct((NC, N_PAD, D), F32)],
        mesh=mesh,
        scratch_types=[
            pltpu.VMEM_SHARED((N_PAD, D), F32),
            pltpu.VMEM((K, LANE), jnp.int32),
            pltpu.VMEM((LANE, D), F32),
            pltpu.SemaphoreType.DMA,
        ])


def _proj2(x, wa, wb, bias):
    blk = 1000

    def body(x_ref, wa_ref, wb_ref, b_ref, y_ref, z_ref):
        xb = x_ref[...]
        y_ref[...] = jnp.dot(xb, wa_ref[...], preferred_element_type=F32)
        z_ref[...] = jnp.dot(xb, wb_ref[...],
                             preferred_element_type=F32) + b_ref[...]

    return pl.pallas_call(
        body,
        grid=(N // blk,),
        in_specs=[
            pl.BlockSpec((blk, D), lambda i: (i, 0)),
            pl.BlockSpec((D, D), lambda i: (0, 0)),
            pl.BlockSpec((D, D), lambda i: (0, 0)),
            pl.BlockSpec((1, D), lambda i: (0, 0)),
        ],
        out_specs=[
            pl.BlockSpec((blk, D), lambda i: (i, 0)),
            pl.BlockSpec((blk, D), lambda i: (i, 0)),
        ],
        out_shape=[
            jax.ShapeDtypeStruct((N, D), F32),
            jax.ShapeDtypeStruct((N, D), F32),
        ],
    )(x, wa, wb, bias)


def _combine_project(z, accp, cntp, wa, wb, bias):
    blk = 1000

    def body(z_ref, a_ref, c_ref, wa_ref, wb_ref, b_ref, y_ref, zo_ref):
        agg = a_ref[0] + a_ref[1]
        cnt = (c_ref[0] + c_ref[1])[:, 0:1]
        o = agg / jnp.maximum(cnt, 1.0) + z_ref[...]
        nrm = jnp.sqrt(jnp.sum(o * o, axis=-1, keepdims=True))
        h = jnp.maximum(o / jnp.maximum(nrm, 1e-12), 0.0)
        y_ref[...] = jnp.dot(h, wa_ref[...], preferred_element_type=F32)
        zo_ref[...] = jnp.dot(h, wb_ref[...],
                              preferred_element_type=F32) + b_ref[...]

    return pl.pallas_call(
        body,
        grid=(N // blk,),
        in_specs=[
            pl.BlockSpec((blk, D), lambda i: (i, 0)),
            pl.BlockSpec((2, blk, D), lambda i: (0, i, 0)),
            pl.BlockSpec((2, blk, D), lambda i: (0, i, 0)),
            pl.BlockSpec((D, D), lambda i: (0, 0)),
            pl.BlockSpec((D, D), lambda i: (0, 0)),
            pl.BlockSpec((1, D), lambda i: (0, 0)),
        ],
        out_specs=[
            pl.BlockSpec((blk, D), lambda i: (i, 0)),
            pl.BlockSpec((blk, D), lambda i: (i, 0)),
        ],
        out_shape=[
            jax.ShapeDtypeStruct((N, D), F32),
            jax.ShapeDtypeStruct((N, D), F32),
        ],
    )(z, accp, cntp, wa, wb, bias)


def _combine_final(z, accp, cntp):
    blk = 1000

    def body(z_ref, a_ref, c_ref, o_ref):
        agg = a_ref[0] + a_ref[1]
        cnt = (c_ref[0] + c_ref[1])[:, 0:1]
        o = agg / jnp.maximum(cnt, 1.0) + z_ref[...]
        nrm = jnp.sqrt(jnp.sum(o * o, axis=-1, keepdims=True))
        o_ref[...] = o / jnp.maximum(nrm, 1e-12)

    return pl.pallas_call(
        body,
        grid=(N // blk,),
        in_specs=[
            pl.BlockSpec((blk, D), lambda i: (i, 0)),
            pl.BlockSpec((2, blk, D), lambda i: (0, i, 0)),
            pl.BlockSpec((2, blk, D), lambda i: (0, i, 0)),
        ],
        out_specs=pl.BlockSpec((blk, D), lambda i: (i, 0)),
        out_shape=jax.ShapeDtypeStruct((N, D), F32),
    )(z, accp, cntp)


def kernel(x, edge_index, W1l, b1l, W1r, W2l, b2l, W2r):
    src = edge_index[0]
    dst = edge_index[1]
    pad = E_PAD - E
    src3 = jnp.concatenate(
        [src, jnp.zeros((pad,), jnp.int32)]).reshape(NC * NS, K, 1, LANE)
    dst3 = jnp.concatenate(
        [dst, jnp.full((pad,), N_PAD - 1, jnp.int32)]).reshape(NC * NS, K, 1,
                                                               LANE)
    sd3 = jnp.concatenate([src3, dst3], axis=2)
    dst3 = dst3.reshape(NC * NS, K, LANE)
    z128 = jnp.zeros((128, D), F32)

    sc = _sc_scatter()
    scc = _sc_count()
    o128 = jnp.ones((128, D), F32)

    y1, z1 = _proj2(x, W1l.T, W1r.T, b1l.reshape(1, D))
    (acc1,) = sc(y1, sd3, z128)
    (cntp,) = scc(dst3, z128, o128)
    y2, z2b = _combine_project(z1, acc1, cntp, W2l.T, W2r.T, b2l.reshape(1, D))
    (acc2,) = sc(y2, sd3, z128)
    return _combine_final(z2b, acc2, cntp)

# --- scband reference (transcript-rebuilt; emitter-appended) ---
"""Pipeline reference for scband-graph-sage-67353677136083 (READ-ONLY COPY).

The authoritative reference and input builder live on the scoring server;
editing this copy changes nothing except your own understanding.
"""

import jax, jax.numpy as jnp
import numpy as np

N = 10000
E = 320000
D = 128
H = 128


def setup_inputs(seed: int = 0) -> dict:
    key = jax.random.key(seed)
    ks = jax.random.split(key, 10)
    x = jax.random.normal(ks[0], (N, D), dtype=jnp.float32)
    edge_index = jax.random.randint(ks[1], (2, E), 0, N, dtype=jnp.int32)
    s1 = 1.0 / np.sqrt(D)
    s2 = 1.0 / np.sqrt(H)
    W1l = jax.random.normal(ks[2], (H, D), dtype=jnp.float32) * s1
    b1l = jnp.zeros((H,), dtype=jnp.float32)
    W1r = jax.random.normal(ks[3], (H, D), dtype=jnp.float32) * s1
    W2l = jax.random.normal(ks[4], (H, H), dtype=jnp.float32) * s2
    b2l = jnp.zeros((H,), dtype=jnp.float32)
    W2r = jax.random.normal(ks[5], (H, H), dtype=jnp.float32) * s2
    return {"x": x, "edge_index": edge_index, "W1l": W1l, "b1l": b1l, "W1r": W1r,
            "W2l": W2l, "b2l": b2l, "W2r": W2r}


def _sage_conv(x, edge_index, Wl, bl, Wr):
    # PyG SAGEConv(aggr='mean', normalize=True):
    #   out = lin_l(mean_{j in N(i)} x_j) + lin_r(x_i); out = l2_normalize(out)
    src = edge_index[0]
    dst = edge_index[1]
    n = x.shape[0]
    msgs = jnp.take(x, src, axis=0)                      # gather (SparseCore)
    agg = jax.ops.segment_sum(msgs, dst, num_segments=n)  # scatter-add
    cnt = jax.ops.segment_sum(jnp.ones((edge_index.shape[1],), dtype=x.dtype), dst, num_segments=n)
    mean = agg / jnp.clip(cnt, 1.0)[:, None]
    out = mean @ Wl.T + bl + x @ Wr.T
    nrm = jnp.sqrt(jnp.sum(out * out, axis=-1, keepdims=True))
    return out / jnp.maximum(nrm, 1e-12)


def reference(x, edge_index, W1l, b1l, W1r, W2l, b2l, W2r):
    h = _sage_conv(x, edge_index, W1l, b1l, W1r)
    h = jax.nn.relu(h)
    # dropout p=0.0 / eval mode -> identity
    out = _sage_conv(h, edge_index, W2l, b2l, W2r)
    return out

if __name__ == "__main__":
    import jax
    _d = setup_inputs()
    print(jax.jit(kernel)(*tuple(_d.values())))

</pallas_src>

<mosaic_0001>
#map = affine_map<(d0, d1) -> (0, 0)>
#map1 = affine_map<(d0, d1) -> (0, 0, 0, 0)>
#map2 = affine_map<(d0, d1) -> (0, 0, 0)>
module attributes {stable_mosaic.version = 14 : i64} {
  func.func @body(%arg0: i32, %arg1: i32, %arg2: memref<10000x128xf32, #tpu.memory_space<hbm>>, %arg3: memref<32x79x2x128xi32, #tpu.memory_space<hbm>>, %arg4: memref<128x128xf32, #tpu.memory_space<hbm>>, %arg5: memref<2x10240x128xf32, #tpu.memory_space<hbm>>, %arg6: memref<10240x128xf32, #tpu.memory_space<vmem_shared>>, %arg7: memref<79x2x128xi32, #tpu.memory_space<vmem>>, %arg8: memref<128x128xf32, #tpu.memory_space<vmem>>, %arg9: memref<!tpu.dma_semaphore, #tpu.memory_space<semaphore_mem>>, %arg10: memref<!tpu.dma_semaphore, #tpu.memory_space<semaphore_mem>>) attributes {dimension_semantics = [#tpu.dimension_semantics<core_parallel>, #tpu.dimension_semantics<subcore_parallel>], iteration_bounds = array<i64: 2, 16>, scalar_prefetch = 0 : i64, scratch_operands = 5 : i64, tpu.core_type = #tpu.core_type<sc_vector_subcore>, window_params = [{transform_indices = #map}, {transform_indices = #map1}, {transform_indices = #map}, {transform_indices = #map2}]} {
    %mul3A = arith.constant 16 : i32
    %mul3A_0 = arith.muli %arg0, %mul3A : i32
    %add3A = arith.addi %mul3A_0, %arg1 : i32
    %mul3A_1 = arith.constant 640 : i32
    %mul3A_2 = arith.muli %arg1, %mul3A_1 : i32
    "tpu.region"() ({
      %run_scoped3A = tpu.sem_alloc : memref<!tpu.dma_semaphore, #tpu.memory_space<semaphore_mem>>
      %dma_start3A = arith.constant 0 : i32
      %dma_start3A_29 = arith.constant 0 : i32
      %dma_start3A_30 = arith.constant 0 : i32
      %dma_start3A_31 = tpu.memref_slice %arg3[%add3A, %dma_start3A, %dma_start3A_29, %dma_start3A_30] : memref<32x79x2x128xi32, #tpu.memory_space<hbm>> -> memref<1x79x2x128xi32, #tpu.memory_space<hbm>>
      %dma_start3A_32 = tpu.memref_squeeze %dma_start3A_31 : memref<1x79x2x128xi32, #tpu.memory_space<hbm>> -> memref<79x2x128xi32, #tpu.memory_space<hbm>>
      %dma_start3A_33 = arith.constant 0 : i32
      %dma_start3A_34 = arith.constant 0 : i32
      %dma_start3A_35 = arith.constant 0 : i32
      %dma_start3A_36 = tpu.memref_slice %arg3[%add3A, %dma_start3A_33, %dma_start3A_34, %dma_start3A_35] : memref<32x79x2x128xi32, #tpu.memory_space<hbm>> -> memref<1x79x2x128xi32, #tpu.memory_space<hbm>>
      %dma_start3A_37 = tpu.memref_squeeze %dma_start3A_36 : memref<1x79x2x128xi32, #tpu.memory_space<hbm>> -> memref<79x2x128xi32, #tpu.memory_space<hbm>>
      tpu.enqueue_dma source(%dma_start3A_37 : memref<79x2x128xi32, #tpu.memory_space<hbm>>) target(%arg7 : memref<79x2x128xi32, #tpu.memory_space<vmem>>) target_semaphore(%run_scoped3A : memref<!tpu.dma_semaphore, #tpu.memory_space<semaphore_mem>>)
      %dma_wait3A = arith.constant 0 : i32
      %dma_wait3A_38 = arith.constant 0 : i32
      %dma_wait3A_39 = arith.constant 0 : i32
      %dma_wait3A_40 = tpu.memref_slice %arg3[%add3A, %dma_wait3A, %dma_wait3A_38, %dma_wait3A_39] : memref<32x79x2x128xi32, #tpu.memory_space<hbm>> -> memref<1x79x2x128xi32, #tpu.memory_space<hbm>>
      %dma_wait3A_41 = tpu.memref_squeeze %dma_wait3A_40 : memref<1x79x2x128xi32, #tpu.memory_space<hbm>> -> memref<79x2x128xi32, #tpu.memory_space<hbm>>
      %dma_wait3A_42 = arith.constant 0 : i32
      %dma_wait3A_43 = arith.constant 0 : i32
      %dma_wait3A_44 = arith.constant 0 : i32
      %dma_wait3A_45 = tpu.memref_slice %arg3[%add3A, %dma_wait3A_42, %dma_wait3A_43, %dma_wait3A_44] : memref<32x79x2x128xi32, #tpu.memory_space<hbm>> -> memref<1x79x2x128xi32, #tpu.memory_space<hbm>>
      %dma_wait3A_46 = tpu.memref_squeeze %dma_wait3A_45 : memref<1x79x2x128xi32, #tpu.memory_space<hbm>> -> memref<79x2x128xi32, #tpu.memory_space<hbm>>
      tpu.wait_dma2 semaphore(%run_scoped3A : memref<!tpu.dma_semaphore, #tpu.memory_space<semaphore_mem>>) src(%dma_wait3A_46 : memref<79x2x128xi32, #tpu.memory_space<hbm>>) dst(%arg7 : memref<79x2x128xi32, #tpu.memory_space<vmem>>)
      tpu.yield
    }) : () -> ()
    "tpu.region"() ({
      %run_scoped3A = tpu.sem_alloc : memref<!tpu.dma_semaphore, #tpu.memory_space<semaphore_mem>>
      tpu.enqueue_dma source(%arg4 : memref<128x128xf32, #tpu.memory_space<hbm>>) target(%arg8 : memref<128x128xf32, #tpu.memory_space<vmem>>) target_semaphore(%run_scoped3A : memref<!tpu.dma_semaphore, #tpu.memory_space<semaphore_mem>>)
      tpu.wait_dma2 semaphore(%run_scoped3A : memref<!tpu.dma_semaphore, #tpu.memory_space<semaphore_mem>>) src(%arg4 : memref<128x128xf32, #tpu.memory_space<hbm>>) dst(%arg8 : memref<128x128xf32, #tpu.memory_space<vmem>>)
      tpu.yield
    }) : () -> ()
    %add3A_3 = arith.constant 0 : i32
    %add3A_4 = arith.addi %mul3A_2, %add3A_3 : i32
    "tpu.region"() ({
      %run_scoped3A = tpu.sem_alloc : memref<!tpu.dma_semaphore, #tpu.memory_space<semaphore_mem>>
      %dma_start3A = arith.constant 0 : i32
      %dma_start3A_29 = tpu.memref_slice %arg6[%add3A_4, %dma_start3A] : memref<10240x128xf32, #tpu.memory_space<vmem_shared>> -> memref<128x128xf32, #tpu.memory_space<vmem_shared>>
      %dma_start3A_30 = arith.constant 0 : i32
      %dma_start3A_31 = tpu.memref_slice %arg6[%add3A_4, %dma_start3A_30] : memref<10240x128xf32, #tpu.memory_space<vmem_shared>> -> memref<128x128xf32, #tpu.memory_space<vmem_shared>>
      tpu.enqueue_dma source(%arg8 : memref<128x128xf32, #tpu.memory_space<vmem>>) target(%dma_start3A_31 : memref<128x128xf32, #tpu.memory_space<vmem_shared>>) target_semaphore(%run_scoped3A : memref<!tpu.dma_semaphore, #tpu.memory_space<semaphore_mem>>)
      %dma_wait3A = arith.constant 0 : i32
      %dma_wait3A_32 = tpu.memref_slice %arg6[%add3A_4, %dma_wait3A] : memref<10240x128xf32, #tpu.memory_space<vmem_shared>> -> memref<128x128xf32, #tpu.memory_space<vmem_shared>>
      %dma_wait3A_33 = arith.constant 0 : i32
      %dma_wait3A_34 = tpu.memref_slice %arg6[%add3A_4, %dma_wait3A_33] : memref<10240x128xf32, #tpu.memory_space<vmem_shared>> -> memref<128x128xf32, #tpu.memory_space<vmem_shared>>
      tpu.wait_dma2 semaphore(%run_scoped3A : memref<!tpu.dma_semaphore, #tpu.memory_space<semaphore_mem>>) src(%arg8 : memref<128x128xf32, #tpu.memory_space<vmem>>) dst(%dma_wait3A_34 : memref<128x128xf32, #tpu.memory_space<vmem_shared>>)
      tpu.yield
    }) : () -> ()
    %add3A_5 = arith.constant 128 : i32
    %add3A_6 = arith.addi %mul3A_2, %add3A_5 : i32
    "tpu.region"() ({
      %run_scoped3A = tpu.sem_alloc : memref<!tpu.dma_semaphore, #tpu.memory_space<semaphore_mem>>
      %dma_start3A = arith.constant 0 : i32
      %dma_start3A_29 = tpu.memref_slice %arg6[%add3A_6, %dma_start3A] : memref<10240x128xf32, #tpu.memory_space<vmem_shared>> -> memref<128x128xf32, #tpu.memory_space<vmem_shared>>
      %dma_start3A_30 = arith.constant 0 : i32
      %dma_start3A_31 = tpu.memref_slice %arg6[%add3A_6, %dma_start3A_30] : memref<10240x128xf32, #tpu.memory_space<vmem_shared>> -> memref<128x128xf32, #tpu.memory_space<vmem_shared>>
      tpu.enqueue_dma source(%arg8 : memref<128x128xf32, #tpu.memory_space<vmem>>) target(%dma_start3A_31 : memref<128x128xf32, #tpu.memory_space<vmem_shared>>) target_semaphore(%run_scoped3A : memref<!tpu.dma_semaphore, #tpu.memory_space<semaphore_mem>>)
      %dma_wait3A = arith.constant 0 : i32
      %dma_wait3A_32 = tpu.memref_slice %arg6[%add3A_6, %dma_wait3A] : memref<10240x128xf32, #tpu.memory_space<vmem_shared>> -> memref<128x128xf32, #tpu.memory_space<vmem_shared>>
      %dma_wait3A_33 = arith.constant 0 : i32
      %dma_wait3A_34 = tpu.memref_slice %arg6[%add3A_6, %dma_wait3A_33] : memref<10240x128xf32, #tpu.memory_space<vmem_shared>> -> memref<128x128xf32, #tpu.memory_space<vmem_shared>>
      tpu.wait_dma2 semaphore(%run_scoped3A : memref<!tpu.dma_semaphore, #tpu.memory_space<semaphore_mem>>) src(%arg8 : memref<128x128xf32, #tpu.memory_space<vmem>>) dst(%dma_wait3A_34 : memref<128x128xf32, #tpu.memory_space<vmem_shared>>)
      tpu.yield
    }) : () -> ()
    %add3A_7 = arith.constant 256 : i32
    %add3A_8 = arith.addi %mul3A_2, %add3A_7 : i32
    "tpu.region"() ({
      %run_scoped3A = tpu.sem_alloc : memref<!tpu.dma_semaphore, #tpu.memory_space<semaphore_mem>>
      %dma_start3A = arith.constant 0 : i32
      %dma_start3A_29 = tpu.memref_slice %arg6[%add3A_8, %dma_start3A] : memref<10240x128xf32, #tpu.memory_space<vmem_shared>> -> memref<128x128xf32, #tpu.memory_space<vmem_shared>>
      %dma_start3A_30 = arith.constant 0 : i32
      %dma_start3A_31 = tpu.memref_slice %arg6[%add3A_8, %dma_start3A_30] : memref<10240x128xf32, #tpu.memory_space<vmem_shared>> -> memref<128x128xf32, #tpu.memory_space<vmem_shared>>
      tpu.enqueue_dma source(%arg8 : memref<128x128xf32, #tpu.memory_space<vmem>>) target(%dma_start3A_31 : memref<128x128xf32, #tpu.memory_space<vmem_shared>>) target_semaphore(%run_scoped3A : memref<!tpu.dma_semaphore, #tpu.memory_space<semaphore_mem>>)
      %dma_wait3A = arith.constant 0 : i32
      %dma_wait3A_32 = tpu.memref_slice %arg6[%add3A_8, %dma_wait3A] : memref<10240x128xf32, #tpu.memory_space<vmem_shared>> -> memref<128x128xf32, #tpu.memory_space<vmem_shared>>
      %dma_wait3A_33 = arith.constant 0 : i32
      %dma_wait3A_34 = tpu.memref_slice %arg6[%add3A_8, %dma_wait3A_33] : memref<10240x128xf32, #tpu.memory_space<vmem_shared>> -> memref<128x128xf32, #tpu.memory_space<vmem_shared>>
      tpu.wait_dma2 semaphore(%run_scoped3A : memref<!tpu.dma_semaphore, #tpu.memory_space<semaphore_mem>>) src(%arg8 : memref<128x128xf32, #tpu.memory_space<vmem>>) dst(%dma_wait3A_34 : memref<128x128xf32, #tpu.memory_space<vmem_shared>>)
      tpu.yield
    }) : () -> ()
    %add3A_9 = arith.constant 384 : i32
    %add3A_10 = arith.addi %mul3A_2, %add3A_9 : i32
    "tpu.region"() ({
      %run_scoped3A = tpu.sem_alloc : memref<!tpu.dma_semaphore, #tpu.memory_space<semaphore_mem>>
      %dma_start3A = arith.constant 0 : i32
      %dma_start3A_29 = tpu.memref_slice %arg6[%add3A_10, %dma_start3A] : memref<10240x128xf32, #tpu.memory_space<vmem_shared>> -> memref<128x128xf32, #tpu.memory_space<vmem_shared>>
      %dma_start3A_30 = arith.constant 0 : i32
      %dma_start3A_31 = tpu.memref_slice %arg6[%add3A_10, %dma_start3A_30] : memref<10240x128xf32, #tpu.memory_space<vmem_shared>> -> memref<128x128xf32, #tpu.memory_space<vmem_shared>>
      tpu.enqueue_dma source(%arg8 : memref<128x128xf32, #tpu.memory_space<vmem>>) target(%dma_start3A_31 : memref<128x128xf32, #tpu.memory_space<vmem_shared>>) target_semaphore(%run_scoped3A : memref<!tpu.dma_semaphore, #tpu.memory_space<semaphore_mem>>)
      %dma_wait3A = arith.constant 0 : i32
      %dma_wait3A_32 = tpu.memref_slice %arg6[%add3A_10, %dma_wait3A] : memref<10240x128xf32, #tpu.memory_space<vmem_shared>> -> memref<128x128xf32, #tpu.memory_space<vmem_shared>>
      %dma_wait3A_33 = arith.constant 0 : i32
      %dma_wait3A_34 = tpu.memref_slice %arg6[%add3A_10, %dma_wait3A_33] : memref<10240x128xf32, #tpu.memory_space<vmem_shared>> -> memref<128x128xf32, #tpu.memory_space<vmem_shared>>
      tpu.wait_dma2 semaphore(%run_scoped3A : memref<!tpu.dma_semaphore, #tpu.memory_space<semaphore_mem>>) src(%arg8 : memref<128x128xf32, #tpu.memory_space<vmem>>) dst(%dma_wait3A_34 : memref<128x128xf32, #tpu.memory_space<vmem_shared>>)
      tpu.yield
    }) : () -> ()
    %add3A_11 = arith.constant 512 : i32
    %add3A_12 = arith.addi %mul3A_2, %add3A_11 : i32
    "tpu.region"() ({
      %run_scoped3A = tpu.sem_alloc : memref<!tpu.dma_semaphore, #tpu.memory_space<semaphore_mem>>
      %dma_start3A = arith.constant 0 : i32
      %dma_start3A_29 = tpu.memref_slice %arg6[%add3A_12, %dma_start3A] : memref<10240x128xf32, #tpu.memory_space<vmem_shared>> -> memref<128x128xf32, #tpu.memory_space<vmem_shared>>
      %dma_start3A_30 = arith.constant 0 : i32
      %dma_start3A_31 = tpu.memref_slice %arg6[%add3A_12, %dma_start3A_30] : memref<10240x128xf32, #tpu.memory_space<vmem_shared>> -> memref<128x128xf32, #tpu.memory_space<vmem_shared>>
      tpu.enqueue_dma source(%arg8 : memref<128x128xf32, #tpu.memory_space<vmem>>) target(%dma_start3A_31 : memref<128x128xf32, #tpu.memory_space<vmem_shared>>) target_semaphore(%run_scoped3A : memref<!tpu.dma_semaphore, #tpu.memory_space<semaphore_mem>>)
      %dma_wait3A = arith.constant 0 : i32
      %dma_wait3A_32 = tpu.memref_slice %arg6[%add3A_12, %dma_wait3A] : memref<10240x128xf32, #tpu.memory_space<vmem_shared>> -> memref<128x128xf32, #tpu.memory_space<vmem_shared>>
      %dma_wait3A_33 = arith.constant 0 : i32
      %dma_wait3A_34 = tpu.memref_slice %arg6[%add3A_12, %dma_wait3A_33] : memref<10240x128xf32, #tpu.memory_space<vmem_shared>> -> memref<128x128xf32, #tpu.memory_space<vmem_shared>>
      tpu.wait_dma2 semaphore(%run_scoped3A : memref<!tpu.dma_semaphore, #tpu.memory_space<semaphore_mem>>) src(%arg8 : memref<128x128xf32, #tpu.memory_space<vmem>>) dst(%dma_wait3A_34 : memref<128x128xf32, #tpu.memory_space<vmem_shared>>)
      tpu.yield
    }) : () -> ()
    %barrier3A = arith.constant 0 : index
    tpu.barrier barrier_id(%barrier3A)
    %scan3A = arith.constant 0 : i32
    %scan3A_13 = arith.constant 0 : i32
    %scan3A_14 = arith.constant 79 : i32
    %scan3A_15 = arith.addi %scan3A_13, %scan3A_14 : i32
    %scan3A_16 = arith.constant 1 : i32
    scf.for %scan3A_29 = %scan3A_13 to %scan3A_15 step %scan3A_16  : i32 {
      %dma_start3A = arith.constant 0 : i32
      %dma_start3A_30 = arith.constant 0 : i32
      %dma_start3A_31 = tpu.memref_slice %arg7[%scan3A_29, %dma_start3A, %dma_start3A_30] : memref<79x2x128xi32, #tpu.memory_space<vmem>> -> memref<1x1x128xi32, #tpu.memory_space<vmem>>
      %dma_start3A_32 = tpu.memref_squeeze %dma_start3A_31 : memref<1x1x128xi32, #tpu.memory_space<vmem>> -> memref<128xi32, #tpu.memory_space<vmem>>
      %dma_start3A_33 = arith.constant 0 : i32
      %dma_start3A_34 = arith.constant 0 : i32
      %dma_start3A_35 = tpu.memref_slice %arg2[%dma_start3A_33, %dma_start3A_34] : memref<10000x128xf32, #tpu.memory_space<hbm>> -> memref<10000x128xf32, #tpu.memory_space<hbm>>
      tpu.enqueue_indirect_dma source(%dma_start3A_35 : memref<10000x128xf32, #tpu.memory_space<hbm>>) target(%arg8 : memref<128x128xf32, #tpu.memory_space<vmem>>) offsets(%dma_start3A_32 : memref<128xi32, #tpu.memory_space<vmem>>) semaphore(%arg9 : memref<!tpu.dma_semaphore, #tpu.memory_space<semaphore_mem>>)
      %dma_wait3A = arith.constant 0 : i32
      %dma_wait3A_36 = arith.constant 0 : i32
      %dma_wait3A_37 = tpu.memref_slice %arg7[%scan3A_29, %dma_wait3A, %dma_wait3A_36] : memref<79x2x128xi32, #tpu.memory_space<vmem>> -> memref<1x1x128xi32, #tpu.memory_space<vmem>>
      %dma_wait3A_38 = tpu.memref_squeeze %dma_wait3A_37 : memref<1x1x128xi32, #tpu.memory_space<vmem>> -> memref<128xi32, #tpu.memory_space<vmem>>
      %dma_wait3A_39 = arith.constant 0 : i32
      %dma_wait3A_40 = arith.constant 0 : i32
      %dma_wait3A_41 = tpu.memref_slice %arg2[%dma_wait3A_39, %dma_wait3A_40] : memref<10000x128xf32, #tpu.memory_space<hbm>> -> memref<10000x128xf32, #tpu.memory_space<hbm>>
      tpu.wait_indirect_dma semaphore(%arg9 : memref<!tpu.dma_semaphore, #tpu.memory_space<semaphore_mem>>) src(%dma_wait3A_41 : memref<10000x128xf32, #tpu.memory_space<hbm>>) dst(%arg8 : memref<128x128xf32, #tpu.memory_space<vmem>>)
      %dma_start3A_42 = arith.constant 1 : i32
      %dma_start3A_43 = arith.constant 0 : i32
      %dma_start3A_44 = tpu.memref_slice %arg7[%scan3A_29, %dma_start3A_42, %dma_start3A_43] : memref<79x2x128xi32, #tpu.memory_space<vmem>> -> memref<1x1x128xi32, #tpu.memory_space<vmem>>
      %dma_start3A_45 = tpu.memref_squeeze %dma_start3A_44 : memref<1x1x128xi32, #tpu.memory_space<vmem>> -> memref<128xi32, #tpu.memory_space<vmem>>
      %dma_start3A_46 = arith.constant 0 : i32
      %dma_start3A_47 = arith.constant 0 : i32
      %dma_start3A_48 = tpu.memref_slice %arg6[%dma_start3A_46, %dma_start3A_47] : memref<10240x128xf32, #tpu.memory_space<vmem_shared>> -> memref<10240x128xf32, #tpu.memory_space<vmem_shared>>
      tpu.enqueue_indirect_dma source(%arg8 : memref<128x128xf32, #tpu.memory_space<vmem>>) target(%dma_start3A_48 : memref<10240x128xf32, #tpu.memory_space<vmem_shared>>) offsets(%dma_start3A_45 : memref<128xi32, #tpu.memory_space<vmem>>) semaphore(%arg10 : memref<!tpu.dma_semaphore, #tpu.memory_space<semaphore_mem>>) {add = true}
      %dma_wait3A_49 = arith.constant 1 : i32
      %dma_wait3A_50 = arith.constant 0 : i32
      %dma_wait3A_51 = tpu.memref_slice %arg7[%scan3A_29, %dma_wait3A_49, %dma_wait3A_50] : memref<79x2x128xi32, #tpu.memory_space<vmem>> -> memref<1x1x128xi32, #tpu.memory_space<vmem>>
      %dma_wait3A_52 = tpu.memref_squeeze %dma_wait3A_51 : memref<1x1x128xi32, #tpu.memory_space<vmem>> -> memref<128xi32, #tpu.memory_space<vmem>>
      %dma_wait3A_53 = arith.constant 0 : i32
      %dma_wait3A_54 = arith.constant 0 : i32
      %dma_wait3A_55 = tpu.memref_slice %arg6[%dma_wait3A_53, %dma_wait3A_54] : memref<10240x128xf32, #tpu.memory_space<vmem_shared>> -> memref<10240x128xf32, #tpu.memory_space<vmem_shared>>
      tpu.wait_indirect_dma semaphore(%arg10 : memref<!tpu.dma_semaphore, #tpu.memory_space<semaphore_mem>>) src(%arg8 : memref<128x128xf32, #tpu.memory_space<vmem>>) dst(%dma_wait3A_55 : memref<10240x128xf32, #tpu.memory_space<vmem_shared>>)
    }
    %scan3A_17 = arith.constant 79 : i32
    %barrier3A_18 = arith.constant 0 : index
    tpu.barrier barrier_id(%barrier3A_18)
    %add3A_19 = arith.constant 0 : i32
    %add3A_20 = arith.addi %mul3A_2, %add3A_19 : i32
    "tpu.region"() ({
      %run_scoped3A = tpu.sem_alloc : memref<!tpu.dma_semaphore, #tpu.memory_space<semaphore_mem>>
      %dma_start3A = arith.constant 0 : i32
      %dma_start3A_29 = tpu.memref_slice %arg6[%add3A_20, %dma_start3A] : memref<10240x128xf32, #tpu.memory_space<vmem_shared>> -> memref<128x128xf32, #tpu.memory_space<vmem_shared>>
      %dma_start3A_30 = arith.constant 0 : i32
      %dma_start3A_31 = tpu.memref_slice %arg6[%add3A_20, %dma_start3A_30] : memref<10240x128xf32, #tpu.memory_space<vmem_shared>> -> memref<128x128xf32, #tpu.memory_space<vmem_shared>>
      tpu.enqueue_dma source(%dma_start3A_31 : memref<128x128xf32, #tpu.memory_space<vmem_shared>>) target(%arg8 : memref<128x128xf32, #tpu.memory_space<vmem>>) target_semaphore(%run_scoped3A : memref<!tpu.dma_semaphore, #tpu.memory_space<semaphore_mem>>)
      %dma_wait3A = arith.constant 0 : i32
      %dma_wait3A_32 = tpu.memref_slice %arg6[%add3A_20, %dma_wait3A] : memref<10240x128xf32, #tpu.memory_space<vmem_shared>> -> memref<128x128xf32, #tpu.memory_space<vmem_shared>>
      %dma_wait3A_33 = arith.constant 0 : i32
      %dma_wait3A_34 = tpu.memref_slice %arg6[%add3A_20, %dma_wait3A_33] : memref<10240x128xf32, #tpu.memory_space<vmem_shared>> -> memref<128x128xf32, #tpu.memory_space<vmem_shared>>
      tpu.wait_dma2 semaphore(%run_scoped3A : memref<!tpu.dma_semaphore, #tpu.memory_space<semaphore_mem>>) src(%dma_wait3A_34 : memref<128x128xf32, #tpu.memory_space<vmem_shared>>) dst(%arg8 : memref<128x128xf32, #tpu.memory_space<vmem>>)
      tpu.yield
    }) : () -> ()
    "tpu.region"() ({
      %run_scoped3A = tpu.sem_alloc : memref<!tpu.dma_semaphore, #tpu.memory_space<semaphore_mem>>
      %dma_start3A = arith.constant 0 : i32
      %dma_start3A_29 = tpu.memref_slice %arg5[%arg0, %add3A_20, %dma_start3A] : memref<2x10240x128xf32, #tpu.memory_space<hbm>> -> memref<1x128x128xf32, #tpu.memory_space<hbm>>
      %dma_start3A_30 = tpu.memref_squeeze %dma_start3A_29 : memref<1x128x128xf32, #tpu.memory_space<hbm>> -> memref<128x128xf32, #tpu.memory_space<hbm>>
      %dma_start3A_31 = arith.constant 0 : i32
      %dma_start3A_32 = tpu.memref_slice %arg5[%arg0, %add3A_20, %dma_start3A_31] : memref<2x10240x128xf32, #tpu.memory_space<hbm>> -> memref<1x128x128xf32, #tpu.memory_space<hbm>>
      %dma_start3A_33 = tpu.memref_squeeze %dma_start3A_32 : memref<1x128x128xf32, #tpu.memory_space<hbm>> -> memref<128x128xf32, #tpu.memory_space<hbm>>
      tpu.enqueue_dma source(%arg8 : memref<128x128xf32, #tpu.memory_space<vmem>>) target(%dma_start3A_33 : memref<128x128xf32, #tpu.memory_space<hbm>>) target_semaphore(%run_scoped3A : memref<!tpu.dma_semaphore, #tpu.memory_space<semaphore_mem>>)
      %dma_wait3A = arith.constant 0 : i32
      %dma_wait3A_34 = tpu.memref_slice %arg5[%arg0, %add3A_20, %dma_wait3A] : memref<2x10240x128xf32, #tpu.memory_space<hbm>> -> memref<1x128x128xf32, #tpu.memory_space<hbm>>
      %dma_wait3A_35 = tpu.memref_squeeze %dma_wait3A_34 : memref<1x128x128xf32, #tpu.memory_space<hbm>> -> memref<128x128xf32, #tpu.memory_space<hbm>>
      %dma_wait3A_36 = arith.constant 0 : i32
      %dma_wait3A_37 = tpu.memref_slice %arg5[%arg0, %add3A_20, %dma_wait3A_36] : memref<2x10240x128xf32, #tpu.memory_space<hbm>> -> memref<1x128x128xf32, #tpu.memory_space<hbm>>
      %dma_wait3A_38 = tpu.memref_squeeze %dma_wait3A_37 : memref<1x128x128xf32, #tpu.memory_space<hbm>> -> memref<128x128xf32, #tpu.memory_space<hbm>>
      tpu.wait_dma2 semaphore(%run_scoped3A : memref<!tpu.dma_semaphore, #tpu.memory_space<semaphore_mem>>) src(%arg8 : memref<128x128xf32, #tpu.memory_space<vmem>>) dst(%dma_wait3A_38 : memref<128x128xf32, #tpu.memory_space<hbm>>)
      tpu.yield
    }) : () -> ()
    %add3A_21 = arith.constant 128 : i32
    %add3A_22 = arith.addi %mul3A_2, %add3A_21 : i32
    "tpu.region"() ({
      %run_scoped3A = tpu.sem_alloc : memref<!tpu.dma_semaphore, #tpu.memory_space<semaphore_mem>>
      %dma_start3A = arith.constant 0 : i32
      %dma_start3A_29 = tpu.memref_slice %arg6[%add3A_22, %dma_start3A] : memref<10240x128xf32, #tpu.memory_space<vmem_shared>> -> memref<128x128xf32, #tpu.memory_space<vmem_shared>>
      %dma_start3A_30 = arith.constant 0 : i32
      %dma_start3A_31 = tpu.memref_slice %arg6[%add3A_22, %dma_start3A_30] : memref<10240x128xf32, #tpu.memory_space<vmem_shared>> -> memref<128x128xf32, #tpu.memory_space<vmem_shared>>
      tpu.enqueue_dma source(%dma_start3A_31 : memref<128x128xf32, #tpu.memory_space<vmem_shared>>) target(%arg8 : memref<128x128xf32, #tpu.memory_space<vmem>>) target_semaphore(%run_scoped3A : memref<!tpu.dma_semaphore, #tpu.memory_space<semaphore_mem>>)
      %dma_wait3A = arith.constant 0 : i32
      %dma_wait3A_32 = tpu.memref_slice %arg6[%add3A_22, %dma_wait3A] : memref<10240x128xf32, #tpu.memory_space<vmem_shared>> -> memref<128x128xf32, #tpu.memory_space<vmem_shared>>
      %dma_wait3A_33 = arith.constant 0 : i32
      %dma_wait3A_34 = tpu.memref_slice %arg6[%add3A_22, %dma_wait3A_33] : memref<10240x128xf32, #tpu.memory_space<vmem_shared>> -> memref<128x128xf32, #tpu.memory_space<vmem_shared>>
      tpu.wait_dma2 semaphore(%run_scoped3A : memref<!tpu.dma_semaphore, #tpu.memory_space<semaphore_mem>>) src(%dma_wait3A_34 : memref<128x128xf32, #tpu.memory_space<vmem_shared>>) dst(%arg8 : memref<128x128xf32, #tpu.memory_space<vmem>>)
      tpu.yield
    }) : () -> ()
    "tpu.region"() ({
      %run_scoped3A = tpu.sem_alloc : memref<!tpu.dma_semaphore, #tpu.memory_space<semaphore_mem>>
      %dma_start3A = arith.constant 0 : i32
      %dma_start3A_29 = tpu.memref_slice %arg5[%arg0, %add3A_22, %dma_start3A] : memref<2x10240x128xf32, #tpu.memory_space<hbm>> -> memref<1x128x128xf32, #tpu.memory_space<hbm>>
      %dma_start3A_30 = tpu.memref_squeeze %dma_start3A_29 : memref<1x128x128xf32, #tpu.memory_space<hbm>> -> memref<128x128xf32, #tpu.memory_space<hbm>>
      %dma_start3A_31 = arith.constant 0 : i32
      %dma_start3A_32 = tpu.memref_slice %arg5[%arg0, %add3A_22, %dma_start3A_31] : memref<2x10240x128xf32, #tpu.memory_space<hbm>> -> memref<1x128x128xf32, #tpu.memory_space<hbm>>
      %dma_start3A_33 = tpu.memref_squeeze %dma_start3A_32 : memref<1x128x128xf32, #tpu.memory_space<hbm>> -> memref<128x128xf32, #tpu.memory_space<hbm>>
      tpu.enqueue_dma source(%arg8 : memref<128x128xf32, #tpu.memory_space<vmem>>) target(%dma_start3A_33 : memref<128x128xf32, #tpu.memory_space<hbm>>) target_semaphore(%run_scoped3A : memref<!tpu.dma_semaphore, #tpu.memory_space<semaphore_mem>>)
      %dma_wait3A = arith.constant 0 : i32
      %dma_wait3A_34 = tpu.memref_slice %arg5[%arg0, %add3A_22, %dma_wait3A] : memref<2x10240x128xf32, #tpu.memory_space<hbm>> -> memref<1x128x128xf32, #tpu.memory_space<hbm>>
      %dma_wait3A_35 = tpu.memref_squeeze %dma_wait3A_34 : memref<1x128x128xf32, #tpu.memory_space<hbm>> -> memref<128x128xf32, #tpu.memory_space<hbm>>
      %dma_wait3A_36 = arith.constant 0 : i32
      %dma_wait3A_37 = tpu.memref_slice %arg5[%arg0, %add3A_22, %dma_wait3A_36] : memref<2x10240x128xf32, #tpu.memory_space<hbm>> -> memref<1x128x128xf32, #tpu.memory_space<hbm>>
      %dma_wait3A_38 = tpu.memref_squeeze %dma_wait3A_37 : memref<1x128x128xf32, #tpu.memory_space<hbm>> -> memref<128x128xf32, #tpu.memory_space<hbm>>
      tpu.wait_dma2 semaphore(%run_scoped3A : memref<!tpu.dma_semaphore, #tpu.memory_space<semaphore_mem>>) src(%arg8 : memref<128x128xf32, #tpu.memory_space<vmem>>) dst(%dma_wait3A_38 : memref<128x128xf32, #tpu.memory_space<hbm>>)
      tpu.yield
    }) : () -> ()
    %add3A_23 = arith.constant 256 : i32
    %add3A_24 = arith.addi %mul3A_2, %add3A_23 : i32
    "tpu.region"() ({
      %run_scoped3A = tpu.sem_alloc : memref<!tpu.dma_semaphore, #tpu.memory_space<semaphore_mem>>
      %dma_start3A = arith.constant 0 : i32
      %dma_start3A_29 = tpu.memref_slice %arg6[%add3A_24, %dma_start3A] : memref<10240x128xf32, #tpu.memory_space<vmem_shared>> -> memref<128x128xf32, #tpu.memory_space<vmem_shared>>
      %dma_start3A_30 = arith.constant 0 : i32
      %dma_start3A_31 = tpu.memref_slice %arg6[%add3A_24, %dma_start3A_30] : memref<10240x128xf32, #tpu.memory_space<vmem_shared>> -> memref<128x128xf32, #tpu.memory_space<vmem_shared>>
      tpu.enqueue_dma source(%dma_start3A_31 : memref<128x128xf32, #tpu.memory_space<vmem_shared>>) target(%arg8 : memref<128x128xf32, #tpu.memory_space<vmem>>) target_semaphore(%run_scoped3A : memref<!tpu.dma_semaphore, #tpu.memory_space<semaphore_mem>>)
      %dma_wait3A = arith.constant 0 : i32
      %dma_wait3A_32 = tpu.memref_slice %arg6[%add3A_24, %dma_wait3A] : memref<10240x128xf32, #tpu.memory_space<vmem_shared>> -> memref<128x128xf32, #tpu.memory_space<vmem_shared>>
      %dma_wait3A_33 = arith.constant 0 : i32
      %dma_wait3A_34 = tpu.memref_slice %arg6[%add3A_24, %dma_wait3A_33] : memref<10240x128xf32, #tpu.memory_space<vmem_shared>> -> memref<128x128xf32, #tpu.memory_space<vmem_shared>>
      tpu.wait_dma2 semaphore(%run_scoped3A : memref<!tpu.dma_semaphore, #tpu.memory_space<semaphore_mem>>) src(%dma_wait3A_34 : memref<128x128xf32, #tpu.memory_space<vmem_shared>>) dst(%arg8 : memref<128x128xf32, #tpu.memory_space<vmem>>)
      tpu.yield
    }) : () -> ()
    "tpu.region"() ({
      %run_scoped3A = tpu.sem_alloc : memref<!tpu.dma_semaphore, #tpu.memory_space<semaphore_mem>>
      %dma_start3A = arith.constant 0 : i32
      %dma_start3A_29 = tpu.memref_slice %arg5[%arg0, %add3A_24, %dma_start3A] : memref<2x10240x128xf32, #tpu.memory_space<hbm>> -> memref<1x128x128xf32, #tpu.memory_space<hbm>>
      %dma_start3A_30 = tpu.memref_squeeze %dma_start3A_29 : memref<1x128x128xf32, #tpu.memory_space<hbm>> -> memref<128x128xf32, #tpu.memory_space<hbm>>
      %dma_start3A_31 = arith.constant 0 : i32
      %dma_start3A_32 = tpu.memref_slice %arg5[%arg0, %add3A_24, %dma_start3A_31] : memref<2x10240x128xf32, #tpu.memory_space<hbm>> -> memref<1x128x128xf32, #tpu.memory_space<hbm>>
      %dma_start3A_33 = tpu.memref_squeeze %dma_start3A_32 : memref<1x128x128xf32, #tpu.memory_space<hbm>> -> memref<128x128xf32, #tpu.memory_space<hbm>>
      tpu.enqueue_dma source(%arg8 : memref<128x128xf32, #tpu.memory_space<vmem>>) target(%dma_start3A_33 : memref<128x128xf32, #tpu.memory_space<hbm>>) target_semaphore(%run_scoped3A : memref<!tpu.dma_semaphore, #tpu.memory_space<semaphore_mem>>)
      %dma_wait3A = arith.constant 0 : i32
      %dma_wait3A_34 = tpu.memref_slice %arg5[%arg0, %add3A_24, %dma_wait3A] : memref<2x10240x128xf32, #tpu.memory_space<hbm>> -> memref<1x128x128xf32, #tpu.memory_space<hbm>>
      %dma_wait3A_35 = tpu.memref_squeeze %dma_wait3A_34 : memref<1x128x128xf32, #tpu.memory_space<hbm>> -> memref<128x128xf32, #tpu.memory_space<hbm>>
      %dma_wait3A_36 = arith.constant 0 : i32
      %dma_wait3A_37 = tpu.memref_slice %arg5[%arg0, %add3A_24, %dma_wait3A_36] : memref<2x10240x128xf32, #tpu.memory_space<hbm>> -> memref<1x128x128xf32, #tpu.memory_space<hbm>>
      %dma_wait3A_38 = tpu.memref_squeeze %dma_wait3A_37 : memref<1x128x128xf32, #tpu.memory_space<hbm>> -> memref<128x128xf32, #tpu.memory_space<hbm>>
      tpu.wait_dma2 semaphore(%run_scoped3A : memref<!tpu.dma_semaphore, #tpu.memory_space<semaphore_mem>>) src(%arg8 : memref<128x128xf32, #tpu.memory_space<vmem>>) dst(%dma_wait3A_38 : memref<128x128xf32, #tpu.memory_space<hbm>>)
      tpu.yield
    }) : () -> ()
    %add3A_25 = arith.constant 384 : i32
    %add3A_26 = arith.addi %mul3A_2, %add3A_25 : i32
    "tpu.region"() ({
      %run_scoped3A = tpu.sem_alloc : memref<!tpu.dma_semaphore, #tpu.memory_space<semaphore_mem>>
      %dma_start3A = arith.constant 0 : i32
      %dma_start3A_29 = tpu.memref_slice %arg6[%add3A_26, %dma_start3A] : memref<10240x128xf32, #tpu.memory_space<vmem_shared>> -> memref<128x128xf32, #tpu.memory_space<vmem_shared>>
      %dma_start3A_30 = arith.constant 0 : i32
      %dma_start3A_31 = tpu.memref_slice %arg6[%add3A_26, %dma_start3A_30] : memref<10240x128xf32, #tpu.memory_space<vmem_shared>> -> memref<128x128xf32, #tpu.memory_space<vmem_shared>>
      tpu.enqueue_dma source(%dma_start3A_31 : memref<128x128xf32, #tpu.memory_space<vmem_shared>>) target(%arg8 : memref<128x128xf32, #tpu.memory_space<vmem>>) target_semaphore(%run_scoped3A : memref<!tpu.dma_semaphore, #tpu.memory_space<semaphore_mem>>)
      %dma_wait3A = arith.constant 0 : i32
      %dma_wait3A_32 = tpu.memref_slice %arg6[%add3A_26, %dma_wait3A] : memref<10240x128xf32, #tpu.memory_space<vmem_shared>> -> memref<128x128xf32, #tpu.memory_space<vmem_shared>>
      %dma_wait3A_33 = arith.constant 0 : i32
      %dma_wait3A_34 = tpu.memref_slice %arg6[%add3A_26, %dma_wait3A_33] : memref<10240x128xf32, #tpu.memory_space<vmem_shared>> -> memref<128x128xf32, #tpu.memory_space<vmem_shared>>
      tpu.wait_dma2 semaphore(%run_scoped3A : memref<!tpu.dma_semaphore, #tpu.memory_space<semaphore_mem>>) src(%dma_wait3A_34 : memref<128x128xf32, #tpu.memory_space<vmem_shared>>) dst(%arg8 : memref<128x128xf32, #tpu.memory_space<vmem>>)
      tpu.yield
    }) : () -> ()
    "tpu.region"() ({
      %run_scoped3A = tpu.sem_alloc : memref<!tpu.dma_semaphore, #tpu.memory_space<semaphore_mem>>
      %dma_start3A = arith.constant 0 : i32
      %dma_start3A_29 = tpu.memref_slice %arg5[%arg0, %add3A_26, %dma_start3A] : memref<2x10240x128xf32, #tpu.memory_space<hbm>> -> memref<1x128x128xf32, #tpu.memory_space<hbm>>
      %dma_start3A_30 = tpu.memref_squeeze %dma_start3A_29 : memref<1x128x128xf32, #tpu.memory_space<hbm>> -> memref<128x128xf32, #tpu.memory_space<hbm>>
      %dma_start3A_31 = arith.constant 0 : i32
      %dma_start3A_32 = tpu.memref_slice %arg5[%arg0, %add3A_26, %dma_start3A_31] : memref<2x10240x128xf32, #tpu.memory_space<hbm>> -> memref<1x128x128xf32, #tpu.memory_space<hbm>>
      %dma_start3A_33 = tpu.memref_squeeze %dma_start3A_32 : memref<1x128x128xf32, #tpu.memory_space<hbm>> -> memref<128x128xf32, #tpu.memory_space<hbm>>
      tpu.enqueue_dma source(%arg8 : memref<128x128xf32, #tpu.memory_space<vmem>>) target(%dma_start3A_33 : memref<128x128xf32, #tpu.memory_space<hbm>>) target_semaphore(%run_scoped3A : memref<!tpu.dma_semaphore, #tpu.memory_space<semaphore_mem>>)
      %dma_wait3A = arith.constant 0 : i32
      %dma_wait3A_34 = tpu.memref_slice %arg5[%arg0, %add3A_26, %dma_wait3A] : memref<2x10240x128xf32, #tpu.memory_space<hbm>> -> memref<1x128x128xf32, #tpu.memory_space<hbm>>
      %dma_wait3A_35 = tpu.memref_squeeze %dma_wait3A_34 : memref<1x128x128xf32, #tpu.memory_space<hbm>> -> memref<128x128xf32, #tpu.memory_space<hbm>>
      %dma_wait3A_36 = arith.constant 0 : i32
      %dma_wait3A_37 = tpu.memref_slice %arg5[%arg0, %add3A_26, %dma_wait3A_36] : memref<2x10240x128xf32, #tpu.memory_space<hbm>> -> memref<1x128x128xf32, #tpu.memory_space<hbm>>
      %dma_wait3A_38 = tpu.memref_squeeze %dma_wait3A_37 : memref<1x128x128xf32, #tpu.memory_space<hbm>> -> memref<128x128xf32, #tpu.memory_space<hbm>>
      tpu.wait_dma2 semaphore(%run_scoped3A : memref<!tpu.dma_semaphore, #tpu.memory_space<semaphore_mem>>) src(%arg8 : memref<128x128xf32, #tpu.memory_space<vmem>>) dst(%dma_wait3A_38 : memref<128x128xf32, #tpu.memory_space<hbm>>)
      tpu.yield
    }) : () -> ()
    %add3A_27 = arith.constant 512 : i32
    %add3A_28 = arith.addi %mul3A_2, %add3A_27 : i32
    "tpu.region"() ({
      %run_scoped3A = tpu.sem_alloc : memref<!tpu.dma_semaphore, #tpu.memory_space<semaphore_mem>>
      %dma_start3A = arith.constant 0 : i32
      %dma_start3A_29 = tpu.memref_slice %arg6[%add3A_28, %dma_start3A] : memref<10240x128xf32, #tpu.memory_space<vmem_shared>> -> memref<128x128xf32, #tpu.memory_space<vmem_shared>>
      %dma_start3A_30 = arith.constant 0 : i32
      %dma_start3A_31 = tpu.memref_slice %arg6[%add3A_28, %dma_start3A_30] : memref<10240x128xf32, #tpu.memory_space<vmem_shared>> -> memref<128x128xf32, #tpu.memory_space<vmem_shared>>
      tpu.enqueue_dma source(%dma_start3A_31 : memref<128x128xf32, #tpu.memory_space<vmem_shared>>) target(%arg8 : memref<128x128xf32, #tpu.memory_space<vmem>>) target_semaphore(%run_scoped3A : memref<!tpu.dma_semaphore, #tpu.memory_space<semaphore_mem>>)
      %dma_wait3A = arith.constant 0 : i32
      %dma_wait3A_32 = tpu.memref_slice %arg6[%add3A_28, %dma_wait3A] : memref<10240x128xf32, #tpu.memory_space<vmem_shared>> -> memref<128x128xf32, #tpu.memory_space<vmem_shared>>
      %dma_wait3A_33 = arith.constant 0 : i32
      %dma_wait3A_34 = tpu.memref_slice %arg6[%add3A_28, %dma_wait3A_33] : memref<10240x128xf32, #tpu.memory_space<vmem_shared>> -> memref<128x128xf32, #tpu.memory_space<vmem_shared>>
      tpu.wait_dma2 semaphore(%run_scoped3A : memref<!tpu.dma_semaphore, #tpu.memory_space<semaphore_mem>>) src(%dma_wait3A_34 : memref<128x128xf32, #tpu.memory_space<vmem_shared>>) dst(%arg8 : memref<128x128xf32, #tpu.memory_space<vmem>>)
      tpu.yield
    }) : () -> ()
    "tpu.region"() ({
      %run_scoped3A = tpu.sem_alloc : memref<!tpu.dma_semaphore, #tpu.memory_space<semaphore_mem>>
      %dma_start3A = arith.constant 0 : i32
      %dma_start3A_29 = tpu.memref_slice %arg5[%arg0, %add3A_28, %dma_start3A] : memref<2x10240x128xf32, #tpu.memory_space<hbm>> -> memref<1x128x128xf32, #tpu.memory_space<hbm>>
      %dma_start3A_30 = tpu.memref_squeeze %dma_start3A_29 : memref<1x128x128xf32, #tpu.memory_space<hbm>> -> memref<128x128xf32, #tpu.memory_space<hbm>>
      %dma_start3A_31 = arith.constant 0 : i32
      %dma_start3A_32 = tpu.memref_slice %arg5[%arg0, %add3A_28, %dma_start3A_31] : memref<2x10240x128xf32, #tpu.memory_space<hbm>> -> memref<1x128x128xf32, #tpu.memory_space<hbm>>
      %dma_start3A_33 = tpu.memref_squeeze %dma_start3A_32 : memref<1x128x128xf32, #tpu.memory_space<hbm>> -> memref<128x128xf32, #tpu.memory_space<hbm>>
      tpu.enqueue_dma source(%arg8 : memref<128x128xf32, #tpu.memory_space<vmem>>) target(%dma_start3A_33 : memref<128x128xf32, #tpu.memory_space<hbm>>) target_semaphore(%run_scoped3A : memref<!tpu.dma_semaphore, #tpu.memory_space<semaphore_mem>>)
      %dma_wait3A = arith.constant 0 : i32
      %dma_wait3A_34 = tpu.memref_slice %arg5[%arg0, %add3A_28, %dma_wait3A] : memref<2x10240x128xf32, #tpu.memory_space<hbm>> -> memref<1x128x128xf32, #tpu.memory_space<hbm>>
      %dma_wait3A_35 = tpu.memref_squeeze %dma_wait3A_34 : memref<1x128x128xf32, #tpu.memory_space<hbm>> -> memref<128x128xf32, #tpu.memory_space<hbm>>
      %dma_wait3A_36 = arith.constant 0 : i32
      %dma_wait3A_37 = tpu.memref_slice %arg5[%arg0, %add3A_28, %dma_wait3A_36] : memref<2x10240x128xf32, #tpu.memory_space<hbm>> -> memref<1x128x128xf32, #tpu.memory_space<hbm>>
      %dma_wait3A_38 = tpu.memref_squeeze %dma_wait3A_37 : memref<1x128x128xf32, #tpu.memory_space<hbm>> -> memref<128x128xf32, #tpu.memory_space<hbm>>
      tpu.wait_dma2 semaphore(%run_scoped3A : memref<!tpu.dma_semaphore, #tpu.memory_space<semaphore_mem>>) src(%arg8 : memref<128x128xf32, #tpu.memory_space<vmem>>) dst(%dma_wait3A_38 : memref<128x128xf32, #tpu.memory_space<hbm>>)
      tpu.yield
    }) : () -> ()
    return
  }
}

#map = affine_map<(d0, d1) -> (0, 0)>
#map1 = affine_map<(d0, d1) -> (0, 0, 0, 0)>
#map2 = affine_map<(d0, d1) -> (0, 0, 0)>
module attributes {stable_mosaic.version = 14 : i64} {
  func.func @body(%arg0: i32, %arg1: i32, %arg2: memref<10000x128xf32, #tpu.memory_space<hbm>>, %arg3: memref<32x79x2x128xi32, #tpu.memory_space<hbm>>, %arg4: memref<128x128xf32, #tpu.memory_space<hbm>>, %arg5: memref<2x10240x128xf32, #tpu.memory_space<hbm>>, %arg6: memref<10240x128xf32, #tpu.memory_space<vmem_shared>>, %arg7: memref<79x2x128xi32, #tpu.memory_space<vmem>>, %arg8: memref<128x128xf32, #tpu.memory_space<vmem>>, %arg9: memref<!tpu.dma_semaphore, #tpu.memory_space<semaphore_mem>>, %arg10: memref<!tpu.dma_semaphore, #tpu.memory_space<semaphore_mem>>) attributes {dimension_semantics = [#tpu.dimension_semantics<core_parallel>, #tpu.dimension_semantics<subcore_parallel>], iteration_bounds = array<i64: 2, 16>, scalar_prefetch = 0 : i64, scratch_operands = 5 : i64, tpu.core_type = #tpu.core_type<sc_vector_subcore>, window_params = [{transform_indices = #map}, {transform_indices = #map1}, {transform_indices = #map}, {transform_indices = #map2}]} {
    %mul3A = arith.constant 16 : i32
    %mul3A_0 = arith.muli %arg0, %mul3A : i32
    %add3A = arith.addi %mul3A_0, %arg1 : i32
    %mul3A_1 = arith.constant 640 : i32
    %mul3A_2 = arith.muli %arg1, %mul3A_1 : i32
    "tpu.region"() ({
      %run_scoped3A = tpu.sem_alloc : memref<!tpu.dma_semaphore, #tpu.memory_space<semaphore_mem>>
      %dma_start3A = arith.constant 0 : i32
      %dma_start3A_29 = arith.constant 0 : i32
      %dma_start3A_30 = arith.constant 0 : i32
      %dma_start3A_31 = tpu.memref_slice %arg3[%add3A, %dma_start3A, %dma_start3A_29, %dma_start3A_30] : memref<32x79x2x128xi32, #tpu.memory_space<hbm>> -> memref<1x79x2x128xi32, #tpu.memory_space<hbm>>
      %dma_start3A_32 = tpu.memref_squeeze %dma_start3A_31 : memref<1x79x2x128xi32, #tpu.memory_space<hbm>> -> memref<79x2x128xi32, #tpu.memory_space<hbm>>
      %dma_start3A_33 = arith.constant 0 : i32
      %dma_start3A_34 = arith.constant 0 : i32
      %dma_start3A_35 = arith.constant 0 : i32
      %dma_start3A_36 = tpu.memref_slice %arg3[%add3A, %dma_start3A_33, %dma_start3A_34, %dma_start3A_35] : memref<32x79x2x128xi32, #tpu.memory_space<hbm>> -> memref<1x79x2x128xi32, #tpu.memory_space<hbm>>
      %dma_start3A_37 = tpu.memref_squeeze %dma_start3A_36 : memref<1x79x2x128xi32, #tpu.memory_space<hbm>> -> memref<79x2x128xi32, #tpu.memory_space<hbm>>
      tpu.enqueue_dma source(%dma_start3A_37 : memref<79x2x128xi32, #tpu.memory_space<hbm>>) target(%arg7 : memref<79x2x128xi32, #tpu.memory_space<vmem>>) target_semaphore(%run_scoped3A : memref<!tpu.dma_semaphore, #tpu.memory_space<semaphore_mem>>)
      %dma_wait3A = arith.constant 0 : i32
      %dma_wait3A_38 = arith.constant 0 : i32
      %dma_wait3A_39 = arith.constant 0 : i32
      %dma_wait3A_40 = tpu.memref_slice %arg3[%add3A, %dma_wait3A, %dma_wait3A_38, %dma_wait3A_39] : memref<32x79x2x128xi32, #tpu.memory_space<hbm>> -> memref<1x79x2x128xi32, #tpu.memory_space<hbm>>
      %dma_wait3A_41 = tpu.memref_squeeze %dma_wait3A_40 : memref<1x79x2x128xi32, #tpu.memory_space<hbm>> -> memref<79x2x128xi32, #tpu.memory_space<hbm>>
      %dma_wait3A_42 = arith.constant 0 : i32
      %dma_wait3A_43 = arith.constant 0 : i32
      %dma_wait3A_44 = arith.constant 0 : i32
      %dma_wait3A_45 = tpu.memref_slice %arg3[%add3A, %dma_wait3A_42, %dma_wait3A_43, %dma_wait3A_44] : memref<32x79x2x128xi32, #tpu.memory_space<hbm>> -> memref<1x79x2x128xi32, #tpu.memory_space<hbm>>
      %dma_wait3A_46 = tpu.memref_squeeze %dma_wait3A_45 : memref<1x79x2x128xi32, #tpu.memory_space<hbm>> -> memref<79x2x128xi32, #tpu.memory_space<hbm>>
      tpu.wait_dma2 semaphore(%run_scoped3A : memref<!tpu.dma_semaphore, #tpu.memory_space<semaphore_mem>>) src(%dma_wait3A_46 : memref<79x2x128xi32, #tpu.memory_space<hbm>>) dst(%arg7 : memref<79x2x128xi32, #tpu.memory_space<vmem>>)
      tpu.yield
    }) : () -> ()
    "tpu.region"() ({
      %run_scoped3A = tpu.sem_alloc : memref<!tpu.dma_semaphore, #tpu.memory_space<semaphore_mem>>
      tpu.enqueue_dma source(%arg4 : memref<128x128xf32, #tpu.memory_space<hbm>>) target(%arg8 : memref<128x128xf32, #tpu.memory_space<vmem>>) target_semaphore(%run_scoped3A : memref<!tpu.dma_semaphore, #tpu.memory_space<semaphore_mem>>)
      tpu.wait_dma2 semaphore(%run_scoped3A : memref<!tpu.dma_semaphore, #tpu.memory_space<semaphore_mem>>) src(%arg4 : memref<128x128xf32, #tpu.memory_space<hbm>>) dst(%arg8 : memref<128x128xf32, #tpu.memory_space<vmem>>)
      tpu.yield
    }) : () -> ()
    %add3A_3 = arith.constant 0 : i32
    %add3A_4 = arith.addi %mul3A_2, %add3A_3 : i32
    "tpu.region"() ({
      %run_scoped3A = tpu.sem_alloc : memref<!tpu.dma_semaphore, #tpu.memory_space<semaphore_mem>>
      %dma_start3A = arith.constant 0 : i32
      %dma_start3A_29 = tpu.memref_slice %arg6[%add3A_4, %dma_start3A] : memref<10240x128xf32, #tpu.memory_space<vmem_shared>> -> memref<128x128xf32, #tpu.memory_space<vmem_shared>>
      %dma_start3A_30 = arith.constant 0 : i32
      %dma_start3A_31 = tpu.memref_slice %arg6[%add3A_4, %dma_start3A_30] : memref<10240x128xf32, #tpu.memory_space<vmem_shared>> -> memref<128x128xf32, #tpu.memory_space<vmem_shared>>
      tpu.enqueue_dma source(%arg8 : memref<128x128xf32, #tpu.memory_space<vmem>>) target(%dma_start3A_31 : memref<128x128xf32, #tpu.memory_space<vmem_shared>>) target_semaphore(%run_scoped3A : memref<!tpu.dma_semaphore, #tpu.memory_space<semaphore_mem>>)
      %dma_wait3A = arith.constant 0 : i32
      %dma_wait3A_32 = tpu.memref_slice %arg6[%add3A_4, %dma_wait3A] : memref<10240x128xf32, #tpu.memory_space<vmem_shared>> -> memref<128x128xf32, #tpu.memory_space<vmem_shared>>
      %dma_wait3A_33 = arith.constant 0 : i32
      %dma_wait3A_34 = tpu.memref_slice %arg6[%add3A_4, %dma_wait3A_33] : memref<10240x128xf32, #tpu.memory_space<vmem_shared>> -> memref<128x128xf32, #tpu.memory_space<vmem_shared>>
      tpu.wait_dma2 semaphore(%run_scoped3A : memref<!tpu.dma_semaphore, #tpu.memory_space<semaphore_mem>>) src(%arg8 : memref<128x128xf32, #tpu.memory_space<vmem>>) dst(%dma_wait3A_34 : memref<128x128xf32, #tpu.memory_space<vmem_shared>>)
      tpu.yield
    }) : () -> ()
    %add3A_5 = arith.constant 128 : i32
    %add3A_6 = arith.addi %mul3A_2, %add3A_5 : i32
    "tpu.region"() ({
      %run_scoped3A = tpu.sem_alloc : memref<!tpu.dma_semaphore, #tpu.memory_space<semaphore_mem>>
      %dma_start3A = arith.constant 0 : i32
      %dma_start3A_29 = tpu.memref_slice %arg6[%add3A_6, %dma_start3A] : memref<10240x128xf32, #tpu.memory_space<vmem_shared>> -> memref<128x128xf32, #tpu.memory_space<vmem_shared>>
      %dma_start3A_30 = arith.constant 0 : i32
      %dma_start3A_31 = tpu.memref_slice %arg6[%add3A_6, %dma_start3A_30] : memref<10240x128xf32, #tpu.memory_space<vmem_shared>> -> memref<128x128xf32, #tpu.memory_space<vmem_shared>>
      tpu.enqueue_dma source(%arg8 : memref<128x128xf32, #tpu.memory_space<vmem>>) target(%dma_start3A_31 : memref<128x128xf32, #tpu.memory_space<vmem_shared>>) target_semaphore(%run_scoped3A : memref<!tpu.dma_semaphore, #tpu.memory_space<semaphore_mem>>)
      %dma_wait3A = arith.constant 0 : i32
      %dma_wait3A_32 = tpu.memref_slice %arg6[%add3A_6, %dma_wait3A] : memref<10240x128xf32, #tpu.memory_space<vmem_shared>> -> memref<128x128xf32, #tpu.memory_space<vmem_shared>>
      %dma_wait3A_33 = arith.constant 0 : i32
      %dma_wait3A_34 = tpu.memref_slice %arg6[%add3A_6, %dma_wait3A_33] : memref<10240x128xf32, #tpu.memory_space<vmem_shared>> -> memref<128x128xf32, #tpu.memory_space<vmem_shared>>
      tpu.wait_dma2 semaphore(%run_scoped3A : memref<!tpu.dma_semaphore, #tpu.memory_space<semaphore_mem>>) src(%arg8 : memref<128x128xf32, #tpu.memory_space<vmem>>) dst(%dma_wait3A_34 : memref<128x128xf32, #tpu.memory_space<vmem_shared>>)
      tpu.yield
    }) : () -> ()
    %add3A_7 = arith.constant 256 : i32
    %add3A_8 = arith.addi %mul3A_2, %add3A_7 : i32
    "tpu.region"() ({
      %run_scoped3A = tpu.sem_alloc : memref<!tpu.dma_semaphore, #tpu.memory_space<semaphore_mem>>
      %dma_start3A = arith.constant 0 : i32
      %dma_start3A_29 = tpu.memref_slice %arg6[%add3A_8, %dma_start3A] : memref<10240x128xf32, #tpu.memory_space<vmem_shared>> -> memref<128x128xf32, #tpu.memory_space<vmem_shared>>
      %dma_start3A_30 = arith.constant 0 : i32
      %dma_start3A_31 = tpu.memref_slice %arg6[%add3A_8, %dma_start3A_30] : memref<10240x128xf32, #tpu.memory_space<vmem_shared>> -> memref<128x128xf32, #tpu.memory_space<vmem_shared>>
      tpu.enqueue_dma source(%arg8 : memref<128x128xf32, #tpu.memory_space<vmem>>) target(%dma_start3A_31 : memref<128x128xf32, #tpu.memory_space<vmem_shared>>) target_semaphore(%run_scoped3A : memref<!tpu.dma_semaphore, #tpu.memory_space<semaphore_mem>>)
      %dma_wait3A = arith.constant 0 : i32
      %dma_wait3A_32 = tpu.memref_slice %arg6[%add3A_8, %dma_wait3A] : memref<10240x128xf32, #tpu.memory_space<vmem_shared>> -> memref<128x128xf32, #tpu.memory_space<vmem_shared>>
      %dma_wait3A_33 = arith.constant 0 : i32
      %dma_wait3A_34 = tpu.memref_slice %arg6[%add3A_8, %dma_wait3A_33] : memref<10240x128xf32, #tpu.memory_space<vmem_shared>> -> memref<128x128xf32, #tpu.memory_space<vmem_shared>>
      tpu.wait_dma2 semaphore(%run_scoped3A : memref<!tpu.dma_semaphore, #tpu.memory_space<semaphore_mem>>) src(%arg8 : memref<128x128xf32, #tpu.memory_space<vmem>>) dst(%dma_wait3A_34 : memref<128x128xf32, #tpu.memory_space<vmem_shared>>)
      tpu.yield
    }) : () -> ()
    %add3A_9 = arith.constant 384 : i32
    %add3A_10 = arith.addi %mul3A_2, %add3A_9 : i32
    "tpu.region"() ({
      %run_scoped3A = tpu.sem_alloc : memref<!tpu.dma_semaphore, #tpu.memory_space<semaphore_mem>>
      %dma_start3A = arith.constant 0 : i32
      %dma_start3A_29 = tpu.memref_slice %arg6[%add3A_10, %dma_start3A] : memref<10240x128xf32, #tpu.memory_space<vmem_shared>> -> memref<128x128xf32, #tpu.memory_space<vmem_shared>>
      %dma_start3A_30 = arith.constant 0 : i32
      %dma_start3A_31 = tpu.memref_slice %arg6[%add3A_10, %dma_start3A_30] : memref<10240x128xf32, #tpu.memory_space<vmem_shared>> -> memref<128x128xf32, #tpu.memory_space<vmem_shared>>
      tpu.enqueue_dma source(%arg8 : memref<128x128xf32, #tpu.memory_space<vmem>>) target(%dma_start3A_31 : memref<128x128xf32, #tpu.memory_space<vmem_shared>>) target_semaphore(%run_scoped3A : memref<!tpu.dma_semaphore, #tpu.memory_space<semaphore_mem>>)
      %dma_wait3A = arith.constant 0 : i32
      %dma_wait3A_32 = tpu.memref_slice %arg6[%add3A_10, %dma_wait3A] : memref<10240x128xf32, #tpu.memory_space<vmem_shared>> -> memref<128x128xf32, #tpu.memory_space<vmem_shared>>
      %dma_wait3A_33 = arith.constant 0 : i32
      %dma_wait3A_34 = tpu.memref_slice %arg6[%add3A_10, %dma_wait3A_33] : memref<10240x128xf32, #tpu.memory_space<vmem_shared>> -> memref<128x128xf32, #tpu.memory_space<vmem_shared>>
      tpu.wait_dma2 semaphore(%run_scoped3A : memref<!tpu.dma_semaphore, #tpu.memory_space<semaphore_mem>>) src(%arg8 : memref<128x128xf32, #tpu.memory_space<vmem>>) dst(%dma_wait3A_34 : memref<128x128xf32, #tpu.memory_space<vmem_shared>>)
      tpu.yield
    }) : () -> ()
    %add3A_11 = arith.constant 512 : i32
    %add3A_12 = arith.addi %mul3A_2, %add3A_11 : i32
    "tpu.region"() ({
      %run_scoped3A = tpu.sem_alloc : memref<!tpu.dma_semaphore, #tpu.memory_space<semaphore_mem>>
      %dma_start3A = arith.constant 0 : i32
      %dma_start3A_29 = tpu.memref_slice %arg6[%add3A_12, %dma_start3A] : memref<10240x128xf32, #tpu.memory_space<vmem_shared>> -> memref<128x128xf32, #tpu.memory_space<vmem_shared>>
      %dma_start3A_30 = arith.constant 0 : i32
      %dma_start3A_31 = tpu.memref_slice %arg6[%add3A_12, %dma_start3A_30] : memref<10240x128xf32, #tpu.memory_space<vmem_shared>> -> memref<128x128xf32, #tpu.memory_space<vmem_shared>>
      tpu.enqueue_dma source(%arg8 : memref<128x128xf32, #tpu.memory_space<vmem>>) target(%dma_start3A_31 : memref<128x128xf32, #tpu.memory_space<vmem_shared>>) target_semaphore(%run_scoped3A : memref<!tpu.dma_semaphore, #tpu.memory_space<semaphore_mem>>)
      %dma_wait3A = arith.constant 0 : i32
      %dma_wait3A_32 = tpu.memref_slice %arg6[%add3A_12, %dma_wait3A] : memref<10240x128xf32, #tpu.memory_space<vmem_shared>> -> memref<128x128xf32, #tpu.memory_space<vmem_shared>>
      %dma_wait3A_33 = arith.constant 0 : i32
      %dma_wait3A_34 = tpu.memref_slice %arg6[%add3A_12, %dma_wait3A_33] : memref<10240x128xf32, #tpu.memory_space<vmem_shared>> -> memref<128x128xf32, #tpu.memory_space<vmem_shared>>
      tpu.wait_dma2 semaphore(%run_scoped3A : memref<!tpu.dma_semaphore, #tpu.memory_space<semaphore_mem>>) src(%arg8 : memref<128x128xf32, #tpu.memory_space<vmem>>) dst(%dma_wait3A_34 : memref<128x128xf32, #tpu.memory_space<vmem_shared>>)
      tpu.yield
    }) : () -> ()
    %barrier3A = arith.constant 0 : index
    tpu.barrier barrier_id(%barrier3A)
    %scan3A = arith.constant 0 : i32
    %scan3A_13 = arith.constant 0 : i32
    %scan3A_14 = arith.constant 79 : i32
    %scan3A_15 = arith.addi %scan3A_13, %scan3A_14 : i32
    %scan3A_16 = arith.constant 1 : i32
    scf.for %scan3A_29 = %scan3A_13 to %scan3A_15 step %scan3A_16  : i32 {
      %dma_start3A = arith.constant 0 : i32
      %dma_start3A_30 = arith.constant 0 : i32
      %dma_start3A_31 = tpu.memref_slice %arg7[%scan3A_29, %dma_start3A, %dma_start3A_30] : memref<79x2x128xi32, #tpu.memory_space<vmem>> -> memref<1x1x128xi32, #tpu.memory_space<vmem>>
      %dma_start3A_32 = tpu.memref_squeeze %dma_start3A_31 : memref<1x1x128xi32, #tpu.memory_space<vmem>> -> memref<128xi32, #tpu.memory_space<vmem>>
      %dma_start3A_33 = arith.constant 0 : i32
      %dma_start3A_34 = arith.constant 0 : i32
      %dma_start3A_35 = tpu.memref_slice %arg2[%dma_start3A_33, %dma_start3A_34] : memref<10000x128xf32, #tpu.memory_space<hbm>> -> memref<10000x128xf32, #tpu.memory_space<hbm>>
      tpu.enqueue_indirect_dma source(%dma_start3A_35 : memref<10000x128xf32, #tpu.memory_space<hbm>>) target(%arg8 : memref<128x128xf32, #tpu.memory_space<vmem>>) offsets(%dma_start3A_32 : memref<128xi32, #tpu.memory_space<vmem>>) semaphore(%arg9 : memref<!tpu.dma_semaphore, #tpu.memory_space<semaphore_mem>>)
      %dma_wait3A = arith.constant 0 : i32
      %dma_wait3A_36 = arith.constant 0 : i32
      %dma_wait3A_37 = tpu.memref_slice %arg7[%scan3A_29, %dma_wait3A, %dma_wait3A_36] : memref<79x2x128xi32, #tpu.memory_space<vmem>> -> memref<1x1x128xi32, #tpu.memory_space<vmem>>
      %dma_wait3A_38 = tpu.memref_squeeze %dma_wait3A_37 : memref<1x1x128xi32, #tpu.memory_space<vmem>> -> memref<128xi32, #tpu.memory_space<vmem>>
      %dma_wait3A_39 = arith.constant 0 : i32
      %dma_wait3A_40 = arith.constant 0 : i32
      %dma_wait3A_41 = tpu.memref_slice %arg2[%dma_wait3A_39, %dma_wait3A_40] : memref<10000x128xf32, #tpu.memory_space<hbm>> -> memref<10000x128xf32, #tpu.memory_space<hbm>>
      tpu.wait_indirect_dma semaphore(%arg9 : memref<!tpu.dma_semaphore, #tpu.memory_space<semaphore_mem>>) src(%dma_wait3A_41 : memref<10000x128xf32, #tpu.memory_space<hbm>>) dst(%arg8 : memref<128x128xf32, #tpu.memory_space<vmem>>)
      %dma_start3A_42 = arith.constant 1 : i32
      %dma_start3A_43 = arith.constant 0 : i32
      %dma_start3A_44 = tpu.memref_slice %arg7[%scan3A_29, %dma_start3A_42, %dma_start3A_43] : memref<79x2x128xi32, #tpu.memory_space<vmem>> -> memref<1x1x128xi32, #tpu.memory_space<vmem>>
      %dma_start3A_45 = tpu.memref_squeeze %dma_start3A_44 : memref<1x1x128xi32, #tpu.memory_space<vmem>> -> memref<128xi32, #tpu.memory_space<vmem>>
      %dma_start3A_46 = arith.constant 0 : i32
      %dma_start3A_47 = arith.constant 0 : i32
      %dma_start3A_48 = tpu.memref_slice %arg6[%dma_start3A_46, %dma_start3A_47] : memref<10240x128xf32, #tpu.memory_space<vmem_shared>> -> memref<10240x128xf32, #tpu.memory_space<vmem_shared>>
      tpu.enqueue_indirect_dma source(%arg8 : memref<128x128xf32, #tpu.memory_space<vmem>>) target(%dma_start3A_48 : memref<10240x128xf32, #tpu.memory_space<vmem_shared>>) offsets(%dma_start3A_45 : memref<128xi32, #tpu.memory_space<vmem>>) semaphore(%arg10 : memref<!tpu.dma_semaphore, #tpu.memory_space<semaphore_mem>>) {add = true}
      %dma_wait3A_49 = arith.constant 1 : i32
      %dma_wait3A_50 = arith.constant 0 : i32
      %dma_wait3A_51 = tpu.memref_slice %arg7[%scan3A_29, %dma_wait3A_49, %dma_wait3A_50] : memref<79x2x128xi32, #tpu.memory_space<vmem>> -> memref<1x1x128xi32, #tpu.memory_space<vmem>>
      %dma_wait3A_52 = tpu.memref_squeeze %dma_wait3A_51 : memref<1x1x128xi32, #tpu.memory_space<vmem>> -> memref<128xi32, #tpu.memory_space<vmem>>
      %dma_wait3A_53 = arith.constant 0 : i32
      %dma_wait3A_54 = arith.constant 0 : i32
      %dma_wait3A_55 = tpu.memref_slice %arg6[%dma_wait3A_53, %dma_wait3A_54] : memref<10240x128xf32, #tpu.memory_space<vmem_shared>> -> memref<10240x128xf32, #tpu.memory_space<vmem_shared>>
      tpu.wait_indirect_dma semaphore(%arg10 : memref<!tpu.dma_semaphore, #tpu.memory_space<semaphore_mem>>) src(%arg8 : memref<128x128xf32, #tpu.memory_space<vmem>>) dst(%dma_wait3A_55 : memref<10240x128xf32, #tpu.memory_space<vmem_shared>>)
    }
    %scan3A_17 = arith.constant 79 : i32
    %barrier3A_18 = arith.constant 0 : index
    tpu.barrier barrier_id(%barrier3A_18)
    %add3A_19 = arith.constant 0 : i32
    %add3A_20 = arith.addi %mul3A_2, %add3A_19 : i32
    "tpu.region"() ({
      %run_scoped3A = tpu.sem_alloc : memref<!tpu.dma_semaphore, #tpu.memory_space<semaphore_mem>>
      %dma_start3A = arith.constant 0 : i32
      %dma_start3A_29 = tpu.memref_slice %arg6[%add3A_20, %dma_start3A] : memref<10240x128xf32, #tpu.memory_space<vmem_shared>> -> memref<128x128xf32, #tpu.memory_space<vmem_shared>>
      %dma_start3A_30 = arith.constant 0 : i32
      %dma_start3A_31 = tpu.memref_slice %arg6[%add3A_20, %dma_start3A_30] : memref<10240x128xf32, #tpu.memory_space<vmem_shared>> -> memref<128x128xf32, #tpu.memory_space<vmem_shared>>
      tpu.enqueue_dma source(%dma_start3A_31 : memref<128x128xf32, #tpu.memory_space<vmem_shared>>) target(%arg8 : memref<128x128xf32, #tpu.memory_space<vmem>>) target_semaphore(%run_scoped3A : memref<!tpu.dma_semaphore, #tpu.memory_space<semaphore_mem>>)
      %dma_wait3A = arith.constant 0 : i32
      %dma_wait3A_32 = tpu.memref_slice %arg6[%add3A_20, %dma_wait3A] : memref<10240x128xf32, #tpu.memory_space<vmem_shared>> -> memref<128x128xf32, #tpu.memory_space<vmem_shared>>
      %dma_wait3A_33 = arith.constant 0 : i32
      %dma_wait3A_34 = tpu.memref_slice %arg6[%add3A_20, %dma_wait3A_33] : memref<10240x128xf32, #tpu.memory_space<vmem_shared>> -> memref<128x128xf32, #tpu.memory_space<vmem_shared>>
      tpu.wait_dma2 semaphore(%run_scoped3A : memref<!tpu.dma_semaphore, #tpu.memory_space<semaphore_mem>>) src(%dma_wait3A_34 : memref<128x128xf32, #tpu.memory_space<vmem_shared>>) dst(%arg8 : memref<128x128xf32, #tpu.memory_space<vmem>>)
      tpu.yield
    }) : () -> ()
    "tpu.region"() ({
      %run_scoped3A = tpu.sem_alloc : memref<!tpu.dma_semaphore, #tpu.memory_space<semaphore_mem>>
      %dma_start3A = arith.constant 0 : i32
      %dma_start3A_29 = tpu.memref_slice %arg5[%arg0, %add3A_20, %dma_start3A] : memref<2x10240x128xf32, #tpu.memory_space<hbm>> -> memref<1x128x128xf32, #tpu.memory_space<hbm>>
      %dma_start3A_30 = tpu.memref_squeeze %dma_start3A_29 : memref<1x128x128xf32, #tpu.memory_space<hbm>> -> memref<128x128xf32, #tpu.memory_space<hbm>>
      %dma_start3A_31 = arith.constant 0 : i32
      %dma_start3A_32 = tpu.memref_slice %arg5[%arg0, %add3A_20, %dma_start3A_31] : memref<2x10240x128xf32, #tpu.memory_space<hbm>> -> memref<1x128x128xf32, #tpu.memory_space<hbm>>
      %dma_start3A_33 = tpu.memref_squeeze %dma_start3A_32 : memref<1x128x128xf32, #tpu.memory_space<hbm>> -> memref<128x128xf32, #tpu.memory_space<hbm>>
      tpu.enqueue_dma source(%arg8 : memref<128x128xf32, #tpu.memory_space<vmem>>) target(%dma_start3A_33 : memref<128x128xf32, #tpu.memory_space<hbm>>) target_semaphore(%run_scoped3A : memref<!tpu.dma_semaphore, #tpu.memory_space<semaphore_mem>>)
      %dma_wait3A = arith.constant 0 : i32
      %dma_wait3A_34 = tpu.memref_slice %arg5[%arg0, %add3A_20, %dma_wait3A] : memref<2x10240x128xf32, #tpu.memory_space<hbm>> -> memref<1x128x128xf32, #tpu.memory_space<hbm>>
      %dma_wait3A_35 = tpu.memref_squeeze %dma_wait3A_34 : memref<1x128x128xf32, #tpu.memory_space<hbm>> -> memref<128x128xf32, #tpu.memory_space<hbm>>
      %dma_wait3A_36 = arith.constant 0 : i32
      %dma_wait3A_37 = tpu.memref_slice %arg5[%arg0, %add3A_20, %dma_wait3A_36] : memref<2x10240x128xf32, #tpu.memory_space<hbm>> -> memref<1x128x128xf32, #tpu.memory_space<hbm>>
      %dma_wait3A_38 = tpu.memref_squeeze %dma_wait3A_37 : memref<1x128x128xf32, #tpu.memory_space<hbm>> -> memref<128x128xf32, #tpu.memory_space<hbm>>
      tpu.wait_dma2 semaphore(%run_scoped3A : memref<!tpu.dma_semaphore, #tpu.memory_space<semaphore_mem>>) src(%arg8 : memref<128x128xf32, #tpu.memory_space<vmem>>) dst(%dma_wait3A_38 : memref<128x128xf32, #tpu.memory_space<hbm>>)
      tpu.yield
    }) : () -> ()
    %add3A_21 = arith.constant 128 : i32
    %add3A_22 = arith.addi %mul3A_2, %add3A_21 : i32
    "tpu.region"() ({
      %run_scoped3A = tpu.sem_alloc : memref<!tpu.dma_semaphore, #tpu.memory_space<semaphore_mem>>
      %dma_start3A = arith.constant 0 : i32
      %dma_start3A_29 = tpu.memref_slice %arg6[%add3A_22, %dma_start3A] : memref<10240x128xf32, #tpu.memory_space<vmem_shared>> -> memref<128x128xf32, #tpu.memory_space<vmem_shared>>
      %dma_start3A_30 = arith.constant 0 : i32
      %dma_start3A_31 = tpu.memref_slice %arg6[%add3A_22, %dma_start3A_30] : memref<10240x128xf32, #tpu.memory_space<vmem_shared>> -> memref<128x128xf32, #tpu.memory_space<vmem_shared>>
      tpu.enqueue_dma source(%dma_start3A_31 : memref<128x128xf32, #tpu.memory_space<vmem_shared>>) target(%arg8 : memref<128x128xf32, #tpu.memory_space<vmem>>) target_semaphore(%run_scoped3A : memref<!tpu.dma_semaphore, #tpu.memory_space<semaphore_mem>>)
      %dma_wait3A = arith.constant 0 : i32
      %dma_wait3A_32 = tpu.memref_slice %arg6[%add3A_22, %dma_wait3A] : memref<10240x128xf32, #tpu.memory_space<vmem_shared>> -> memref<128x128xf32, #tpu.memory_space<vmem_shared>>
      %dma_wait3A_33 = arith.constant 0 : i32
      %dma_wait3A_34 = tpu.memref_slice %arg6[%add3A_22, %dma_wait3A_33] : memref<10240x128xf32, #tpu.memory_space<vmem_shared>> -> memref<128x128xf32, #tpu.memory_space<vmem_shared>>
      tpu.wait_dma2 semaphore(%run_scoped3A : memref<!tpu.dma_semaphore, #tpu.memory_space<semaphore_mem>>) src(%dma_wait3A_34 : memref<128x128xf32, #tpu.memory_space<vmem_shared>>) dst(%arg8 : memref<128x128xf32, #tpu.memory_space<vmem>>)
      tpu.yield
    }) : () -> ()
    "tpu.region"() ({
      %run_scoped3A = tpu.sem_alloc : memref<!tpu.dma_semaphore, #tpu.memory_space<semaphore_mem>>
      %dma_start3A = arith.constant 0 : i32
      %dma_start3A_29 = tpu.memref_slice %arg5[%arg0, %add3A_22, %dma_start3A] : memref<2x10240x128xf32, #tpu.memory_space<hbm>> -> memref<1x128x128xf32, #tpu.memory_space<hbm>>
      %dma_start3A_30 = tpu.memref_squeeze %dma_start3A_29 : memref<1x128x128xf32, #tpu.memory_space<hbm>> -> memref<128x128xf32, #tpu.memory_space<hbm>>
      %dma_start3A_31 = arith.constant 0 : i32
      %dma_start3A_32 = tpu.memref_slice %arg5[%arg0, %add3A_22, %dma_start3A_31] : memref<2x10240x128xf32, #tpu.memory_space<hbm>> -> memref<1x128x128xf32, #tpu.memory_space<hbm>>
      %dma_start3A_33 = tpu.memref_squeeze %dma_start3A_32 : memref<1x128x128xf32, #tpu.memory_space<hbm>> -> memref<128x128xf32, #tpu.memory_space<hbm>>
      tpu.enqueue_dma source(%arg8 : memref<128x128xf32, #tpu.memory_space<vmem>>) target(%dma_start3A_33 : memref<128x128xf32, #tpu.memory_space<hbm>>) target_semaphore(%run_scoped3A : memref<!tpu.dma_semaphore, #tpu.memory_space<semaphore_mem>>)
      %dma_wait3A = arith.constant 0 : i32
      %dma_wait3A_34 = tpu.memref_slice %arg5[%arg0, %add3A_22, %dma_wait3A] : memref<2x10240x128xf32, #tpu.memory_space<hbm>> -> memref<1x128x128xf32, #tpu.memory_space<hbm>>
      %dma_wait3A_35 = tpu.memref_squeeze %dma_wait3A_34 : memref<1x128x128xf32, #tpu.memory_space<hbm>> -> memref<128x128xf32, #tpu.memory_space<hbm>>
      %dma_wait3A_36 = arith.constant 0 : i32
      %dma_wait3A_37 = tpu.memref_slice %arg5[%arg0, %add3A_22, %dma_wait3A_36] : memref<2x10240x128xf32, #tpu.memory_space<hbm>> -> memref<1x128x128xf32, #tpu.memory_space<hbm>>
      %dma_wait3A_38 = tpu.memref_squeeze %dma_wait3A_37 : memref<1x128x128xf32, #tpu.memory_space<hbm>> -> memref<128x128xf32, #tpu.memory_space<hbm>>
      tpu.wait_dma2 semaphore(%run_scoped3A : memref<!tpu.dma_semaphore, #tpu.memory_space<semaphore_mem>>) src(%arg8 : memref<128x128xf32, #tpu.memory_space<vmem>>) dst(%dma_wait3A_38 : memref<128x128xf32, #tpu.memory_space<hbm>>)
      tpu.yield
    }) : () -> ()
    %add3A_23 = arith.constant 256 : i32
    %add3A_24 = arith.addi %mul3A_2, %add3A_23 : i32
    "tpu.region"() ({
      %run_scoped3A = tpu.sem_alloc : memref<!tpu.dma_semaphore, #tpu.memory_space<semaphore_mem>>
      %dma_start3A = arith.constant 0 : i32
      %dma_start3A_29 = tpu.memref_slice %arg6[%add3A_24, %dma_start3A] : memref<10240x128xf32, #tpu.memory_space<vmem_shared>> -> memref<128x128xf32, #tpu.memory_space<vmem_shared>>
      %dma_start3A_30 = arith.constant 0 : i32
      %dma_start3A_31 = tpu.memref_slice %arg6[%add3A_24, %dma_start3A_30] : memref<10240x128xf32, #tpu.memory_space<vmem_shared>> -> memref<128x128xf32, #tpu.memory_space<vmem_shared>>
      tpu.enqueue_dma source(%dma_start3A_31 : memref<128x128xf32, #tpu.memory_space<vmem_shared>>) target(%arg8 : memref<128x128xf32, #tpu.memory_space<vmem>>) target_semaphore(%run_scoped3A : memref<!tpu.dma_semaphore, #tpu.memory_space<semaphore_mem>>)
      %dma_wait3A = arith.constant 0 : i32
      %dma_wait3A_32 = tpu.memref_slice %arg6[%add3A_24, %dma_wait3A] : memref<10240x128xf32, #tpu.memory_space<vmem_shared>> -> memref<128x128xf32, #tpu.memory_space<vmem_shared>>
      %dma_wait3A_33 = arith.constant 0 : i32
      %dma_wait3A_34 = tpu.memref_slice %arg6[%add3A_24, %dma_wait3A_33] : memref<10240x128xf32, #tpu.memory_space<vmem_shared>> -> memref<128x128xf32, #tpu.memory_space<vmem_shared>>
      tpu.wait_dma2 semaphore(%run_scoped3A : memref<!tpu.dma_semaphore, #tpu.memory_space<semaphore_mem>>) src(%dma_wait3A_34 : memref<128x128xf32, #tpu.memory_space<vmem_shared>>) dst(%arg8 : memref<128x128xf32, #tpu.memory_space<vmem>>)
      tpu.yield
    }) : () -> ()
    "tpu.region"() ({
      %run_scoped3A = tpu.sem_alloc : memref<!tpu.dma_semaphore, #tpu.memory_space<semaphore_mem>>
      %dma_start3A = arith.constant 0 : i32
      %dma_start3A_29 = tpu.memref_slice %arg5[%arg0, %add3A_24, %dma_start3A] : memref<2x10240x128xf32, #tpu.memory_space<hbm>> -> memref<1x128x128xf32, #tpu.memory_space<hbm>>
      %dma_start3A_30 = tpu.memref_squeeze %dma_start3A_29 : memref<1x128x128xf32, #tpu.memory_space<hbm>> -> memref<128x128xf32, #tpu.memory_space<hbm>>
      %dma_start3A_31 = arith.constant 0 : i32
      %dma_start3A_32 = tpu.memref_slice %arg5[%arg0, %add3A_24, %dma_start3A_31] : memref<2x10240x128xf32, #tpu.memory_space<hbm>> -> memref<1x128x128xf32, #tpu.memory_space<hbm>>
      %dma_start3A_33 = tpu.memref_squeeze %dma_start3A_32 : memref<1x128x128xf32, #tpu.memory_space<hbm>> -> memref<128x128xf32, #tpu.memory_space<hbm>>
      tpu.enqueue_dma source(%arg8 : memref<128x128xf32, #tpu.memory_space<vmem>>) target(%dma_start3A_33 : memref<128x128xf32, #tpu.memory_space<hbm>>) target_semaphore(%run_scoped3A : memref<!tpu.dma_semaphore, #tpu.memory_space<semaphore_mem>>)
      %dma_wait3A = arith.constant 0 : i32
      %dma_wait3A_34 = tpu.memref_slice %arg5[%arg0, %add3A_24, %dma_wait3A] : memref<2x10240x128xf32, #tpu.memory_space<hbm>> -> memref<1x128x128xf32, #tpu.memory_space<hbm>>
      %dma_wait3A_35 = tpu.memref_squeeze %dma_wait3A_34 : memref<1x128x128xf32, #tpu.memory_space<hbm>> -> memref<128x128xf32, #tpu.memory_space<hbm>>
      %dma_wait3A_36 = arith.constant 0 : i32
      %dma_wait3A_37 = tpu.memref_slice %arg5[%arg0, %add3A_24, %dma_wait3A_36] : memref<2x10240x128xf32, #tpu.memory_space<hbm>> -> memref<1x128x128xf32, #tpu.memory_space<hbm>>
      %dma_wait3A_38 = tpu.memref_squeeze %dma_wait3A_37 : memref<1x128x128xf32, #tpu.memory_space<hbm>> -> memref<128x128xf32, #tpu.memory_space<hbm>>
      tpu.wait_dma2 semaphore(%run_scoped3A : memref<!tpu.dma_semaphore, #tpu.memory_space<semaphore_mem>>) src(%arg8 : memref<128x128xf32, #tpu.memory_space<vmem>>) dst(%dma_wait3A_38 : memref<128x128xf32, #tpu.memory_space<hbm>>)
      tpu.yield
    }) : () -> ()
    %add3A_25 = arith.constant 384 : i32
    %add3A_26 = arith.addi %mul3A_2, %add3A_25 : i32
    "tpu.region"() ({
      %run_scoped3A = tpu.sem_alloc : memref<!tpu.dma_semaphore, #tpu.memory_space<semaphore_mem>>
      %dma_start3A = arith.constant 0 : i32
      %dma_start3A_29 = tpu.memref_slice %arg6[%add3A_26, %dma_start3A] : memref<10240x128xf32, #tpu.memory_space<vmem_shared>> -> memref<128x128xf32, #tpu.memory_space<vmem_shared>>
      %dma_start3A_30 = arith.constant 0 : i32
      %dma_start3A_31 = tpu.memref_slice %arg6[%add3A_26, %dma_start3A_30] : memref<10240x128xf32, #tpu.memory_space<vmem_shared>> -> memref<128x128xf32, #tpu.memory_space<vmem_shared>>
      tpu.enqueue_dma source(%dma_start3A_31 : memref<128x128xf32, #tpu.memory_space<vmem_shared>>) target(%arg8 : memref<128x128xf32, #tpu.memory_space<vmem>>) target_semaphore(%run_scoped3A : memref<!tpu.dma_semaphore, #tpu.memory_space<semaphore_mem>>)
      %dma_wait3A = arith.constant 0 : i32
      %dma_wait3A_32 = tpu.memref_slice %arg6[%add3A_26, %dma_wait3A] : memref<10240x128xf32, #tpu.memory_space<vmem_shared>> -> memref<128x128xf32, #tpu.memory_space<vmem_shared>>
      %dma_wait3A_33 = arith.constant 0 : i32
      %dma_wait3A_34 = tpu.memref_slice %arg6[%add3A_26, %dma_wait3A_33] : memref<10240x128xf32, #tpu.memory_space<vmem_shared>> -> memref<128x128xf32, #tpu.memory_space<vmem_shared>>
      tpu.wait_dma2 semaphore(%run_scoped3A : memref<!tpu.dma_semaphore, #tpu.memory_space<semaphore_mem>>) src(%dma_wait3A_34 : memref<128x128xf32, #tpu.memory_space<vmem_shared>>) dst(%arg8 : memref<128x128xf32, #tpu.memory_space<vmem>>)
      tpu.yield
    }) : () -> ()
    "tpu.region"() ({
      %run_scoped3A = tpu.sem_alloc : memref<!tpu.dma_semaphore, #tpu.memory_space<semaphore_mem>>
      %dma_start3A = arith.constant 0 : i32
      %dma_start3A_29 = tpu.memref_slice %arg5[%arg0, %add3A_26, %dma_start3A] : memref<2x10240x128xf32, #tpu.memory_space<hbm>> -> memref<1x128x128xf32, #tpu.memory_space<hbm>>
      %dma_start3A_30 = tpu.memref_squeeze %dma_start3A_29 : memref<1x128x128xf32, #tpu.memory_space<hbm>> -> memref<128x128xf32, #tpu.memory_space<hbm>>
      %dma_start3A_31 = arith.constant 0 : i32
      %dma_start3A_32 = tpu.memref_slice %arg5[%arg0, %add3A_26, %dma_start3A_31] : memref<2x10240x128xf32, #tpu.memory_space<hbm>> -> memref<1x128x128xf32, #tpu.memory_space<hbm>>
      %dma_start3A_33 = tpu.memref_squeeze %dma_start3A_32 : memref<1x128x128xf32, #tpu.memory_space<hbm>> -> memref<128x128xf32, #tpu.memory_space<hbm>>
      tpu.enqueue_dma source(%arg8 : memref<128x128xf32, #tpu.memory_space<vmem>>) target(%dma_start3A_33 : memref<128x128xf32, #tpu.memory_space<hbm>>) target_semaphore(%run_scoped3A : memref<!tpu.dma_semaphore, #tpu.memory_space<semaphore_mem>>)
      %dma_wait3A = arith.constant 0 : i32
      %dma_wait3A_34 = tpu.memref_slice %arg5[%arg0, %add3A_26, %dma_wait3A] : memref<2x10240x128xf32, #tpu.memory_space<hbm>> -> memref<1x128x128xf32, #tpu.memory_space<hbm>>
      %dma_wait3A_35 = tpu.memref_squeeze %dma_wait3A_34 : memref<1x128x128xf32, #tpu.memory_space<hbm>> -> memref<128x128xf32, #tpu.memory_space<hbm>>
      %dma_wait3A_36 = arith.constant 0 : i32
      %dma_wait3A_37 = tpu.memref_slice %arg5[%arg0, %add3A_26, %dma_wait3A_36] : memref<2x10240x128xf32, #tpu.memory_space<hbm>> -> memref<1x128x128xf32, #tpu.memory_space<hbm>>
      %dma_wait3A_38 = tpu.memref_squeeze %dma_wait3A_37 : memref<1x128x128xf32, #tpu.memory_space<hbm>> -> memref<128x128xf32, #tpu.memory_space<hbm>>
      tpu.wait_dma2 semaphore(%run_scoped3A : memref<!tpu.dma_semaphore, #tpu.memory_space<semaphore_mem>>) src(%arg8 : memref<128x128xf32, #tpu.memory_space<vmem>>) dst(%dma_wait3A_38 : memref<128x128xf32, #tpu.memory_space<hbm>>)
      tpu.yield
    }) : () -> ()
    %add3A_27 = arith.constant 512 : i32
    %add3A_28 = arith.addi %mul3A_2, %add3A_27 : i32
    "tpu.region"() ({
      %run_scoped3A = tpu.sem_alloc : memref<!tpu.dma_semaphore, #tpu.memory_space<semaphore_mem>>
      %dma_start3A = arith.constant 0 : i32
      %dma_start3A_29 = tpu.memref_slice %arg6[%add3A_28, %dma_start3A] : memref<10240x128xf32, #tpu.memory_space<vmem_shared>> -> memref<128x128xf32, #tpu.memory_space<vmem_shared>>
      %dma_start3A_30 = arith.constant 0 : i32
      %dma_start3A_31 = tpu.memref_slice %arg6[%add3A_28, %dma_start3A_30] : memref<10240x128xf32, #tpu.memory_space<vmem_shared>> -> memref<128x128xf32, #tpu.memory_space<vmem_shared>>
      tpu.enqueue_dma source(%dma_start3A_31 : memref<128x128xf32, #tpu.memory_space<vmem_shared>>) target(%arg8 : memref<128x128xf32, #tpu.memory_space<vmem>>) target_semaphore(%run_scoped3A : memref<!tpu.dma_semaphore, #tpu.memory_space<semaphore_mem>>)
      %dma_wait3A = arith.constant 0 : i32
      %dma_wait3A_32 = tpu.memref_slice %arg6[%add3A_28, %dma_wait3A] : memref<10240x128xf32, #tpu.memory_space<vmem_shared>> -> memref<128x128xf32, #tpu.memory_space<vmem_shared>>
      %dma_wait3A_33 = arith.constant 0 : i32
      %dma_wait3A_34 = tpu.memref_slice %arg6[%add3A_28, %dma_wait3A_33] : memref<10240x128xf32, #tpu.memory_space<vmem_shared>> -> memref<128x128xf32, #tpu.memory_space<vmem_shared>>
      tpu.wait_dma2 semaphore(%run_scoped3A : memref<!tpu.dma_semaphore, #tpu.memory_space<semaphore_mem>>) src(%dma_wait3A_34 : memref<128x128xf32, #tpu.memory_space<vmem_shared>>) dst(%arg8 : memref<128x128xf32, #tpu.memory_space<vmem>>)
      tpu.yield
    }) : () -> ()
    "tpu.region"() ({
      %run_scoped3A = tpu.sem_alloc : memref<!tpu.dma_semaphore, #tpu.memory_space<semaphore_mem>>
      %dma_start3A = arith.constant 0 : i32
      %dma_start3A_29 = tpu.memref_slice %arg5[%arg0, %add3A_28, %dma_start3A] : memref<2x10240x128xf32, #tpu.memory_space<hbm>> -> memref<1x128x128xf32, #tpu.memory_space<hbm>>
      %dma_start3A_30 = tpu.memref_squeeze %dma_start3A_29 : memref<1x128x128xf32, #tpu.memory_space<hbm>> -> memref<128x128xf32, #tpu.memory_space<hbm>>
      %dma_start3A_31 = arith.constant 0 : i32
      %dma_start3A_32 = tpu.memref_slice %arg5[%arg0, %add3A_28, %dma_start3A_31] : memref<2x10240x128xf32, #tpu.memory_space<hbm>> -> memref<1x128x128xf32, #tpu.memory_space<hbm>>
      %dma_start3A_33 = tpu.memref_squeeze %dma_start3A_32 : memref<1x128x128xf32, #tpu.memory_space<hbm>> -> memref<128x128xf32, #tpu.memory_space<hbm>>
      tpu.enqueue_dma source(%arg8 : memref<128x128xf32, #tpu.memory_space<vmem>>) target(%dma_start3A_33 : memref<128x128xf32, #tpu.memory_space<hbm>>) target_semaphore(%run_scoped3A : memref<!tpu.dma_semaphore, #tpu.memory_space<semaphore_mem>>)
      %dma_wait3A = arith.constant 0 : i32
      %dma_wait3A_34 = tpu.memref_slice %arg5[%arg0, %add3A_28, %dma_wait3A] : memref<2x10240x128xf32, #tpu.memory_space<hbm>> -> memref<1x128x128xf32, #tpu.memory_space<hbm>>
      %dma_wait3A_35 = tpu.memref_squeeze %dma_wait3A_34 : memref<1x128x128xf32, #tpu.memory_space<hbm>> -> memref<128x128xf32, #tpu.memory_space<hbm>>
      %dma_wait3A_36 = arith.constant 0 : i32
      %dma_wait3A_37 = tpu.memref_slice %arg5[%arg0, %add3A_28, %dma_wait3A_36] : memref<2x10240x128xf32, #tpu.memory_space<hbm>> -> memref<1x128x128xf32, #tpu.memory_space<hbm>>
      %dma_wait3A_38 = tpu.memref_squeeze %dma_wait3A_37 : memref<1x128x128xf32, #tpu.memory_space<hbm>> -> memref<128x128xf32, #tpu.memory_space<hbm>>
      tpu.wait_dma2 semaphore(%run_scoped3A : memref<!tpu.dma_semaphore, #tpu.memory_space<semaphore_mem>>) src(%arg8 : memref<128x128xf32, #tpu.memory_space<vmem>>) dst(%dma_wait3A_38 : memref<128x128xf32, #tpu.memory_space<hbm>>)
      tpu.yield
    }) : () -> ()
    return
  }
}

#map = affine_map<(d0, d1) -> (0, 0, 0)>
#map1 = affine_map<(d0, d1) -> (0, 0)>
module attributes {stable_mosaic.version = 14 : i64} {
  func.func @body(%arg0: i32, %arg1: i32, %arg2: memref<32x79x128xi32, #tpu.memory_space<hbm>>, %arg3: memref<128x128xf32, #tpu.memory_space<hbm>>, %arg4: memref<128x128xf32, #tpu.memory_space<hbm>>, %arg5: memref<2x10240x128xf32, #tpu.memory_space<hbm>>, %arg6: memref<10240x128xf32, #tpu.memory_space<vmem_shared>>, %arg7: memref<79x128xi32, #tpu.memory_space<vmem>>, %arg8: memref<128x128xf32, #tpu.memory_space<vmem>>, %arg9: memref<!tpu.dma_semaphore, #tpu.memory_space<semaphore_mem>>) attributes {dimension_semantics = [#tpu.dimension_semantics<core_parallel>, #tpu.dimension_semantics<subcore_parallel>], iteration_bounds = array<i64: 2, 16>, scalar_prefetch = 0 : i64, scratch_operands = 4 : i64, tpu.core_type = #tpu.core_type<sc_vector_subcore>, window_params = [{transform_indices = #map}, {transform_indices = #map1}, {transform_indices = #map1}, {transform_indices = #map}]} {
    %mul3A = arith.constant 16 : i32
    %mul3A_0 = arith.muli %arg0, %mul3A : i32
    %add3A = arith.addi %mul3A_0, %arg1 : i32
    %mul3A_1 = arith.constant 640 : i32
    %mul3A_2 = arith.muli %arg1, %mul3A_1 : i32
    "tpu.region"() ({
      %run_scoped3A = tpu.sem_alloc : memref<!tpu.dma_semaphore, #tpu.memory_space<semaphore_mem>>
      tpu.enqueue_dma source(%arg3 : memref<128x128xf32, #tpu.memory_space<hbm>>) target(%arg8 : memref<128x128xf32, #tpu.memory_space<vmem>>) target_semaphore(%run_scoped3A : memref<!tpu.dma_semaphore, #tpu.memory_space<semaphore_mem>>)
      tpu.wait_dma2 semaphore(%run_scoped3A : memref<!tpu.dma_semaphore, #tpu.memory_space<semaphore_mem>>) src(%arg3 : memref<128x128xf32, #tpu.memory_space<hbm>>) dst(%arg8 : memref<128x128xf32, #tpu.memory_space<vmem>>)
      tpu.yield
    }) : () -> ()
    %add3A_3 = arith.constant 0 : i32
    %add3A_4 = arith.addi %mul3A_2, %add3A_3 : i32
    "tpu.region"() ({
      %run_scoped3A = tpu.sem_alloc : memref<!tpu.dma_semaphore, #tpu.memory_space<semaphore_mem>>
      %dma_start3A = arith.constant 0 : i32
      %dma_start3A_29 = tpu.memref_slice %arg6[%add3A_4, %dma_start3A] : memref<10240x128xf32, #tpu.memory_space<vmem_shared>> -> memref<128x128xf32, #tpu.memory_space<vmem_shared>>
      %dma_start3A_30 = arith.constant 0 : i32
      %dma_start3A_31 = tpu.memref_slice %arg6[%add3A_4, %dma_start3A_30] : memref<10240x128xf32, #tpu.memory_space<vmem_shared>> -> memref<128x128xf32, #tpu.memory_space<vmem_shared>>
      tpu.enqueue_dma source(%arg8 : memref<128x128xf32, #tpu.memory_space<vmem>>) target(%dma_start3A_31 : memref<128x128xf32, #tpu.memory_space<vmem_shared>>) target_semaphore(%run_scoped3A : memref<!tpu.dma_semaphore, #tpu.memory_space<semaphore_mem>>)
      %dma_wait3A = arith.constant 0 : i32
      %dma_wait3A_32 = tpu.memref_slice %arg6[%add3A_4, %dma_wait3A] : memref<10240x128xf32, #tpu.memory_space<vmem_shared>> -> memref<128x128xf32, #tpu.memory_space<vmem_shared>>
      %dma_wait3A_33 = arith.constant 0 : i32
      %dma_wait3A_34 = tpu.memref_slice %arg6[%add3A_4, %dma_wait3A_33] : memref<10240x128xf32, #tpu.memory_space<vmem_shared>> -> memref<128x128xf32, #tpu.memory_space<vmem_shared>>
      tpu.wait_dma2 semaphore(%run_scoped3A : memref<!tpu.dma_semaphore, #tpu.memory_space<semaphore_mem>>) src(%arg8 : memref<128x128xf32, #tpu.memory_space<vmem>>) dst(%dma_wait3A_34 : memref<128x128xf32, #tpu.memory_space<vmem_shared>>)
      tpu.yield
    }) : () -> ()
    %add3A_5 = arith.constant 128 : i32
    %add3A_6 = arith.addi %mul3A_2, %add3A_5 : i32
    "tpu.region"() ({
      %run_scoped3A = tpu.sem_alloc : memref<!tpu.dma_semaphore, #tpu.memory_space<semaphore_mem>>
      %dma_start3A = arith.constant 0 : i32
      %dma_start3A_29 = tpu.memref_slice %arg6[%add3A_6, %dma_start3A] : memref<10240x128xf32, #tpu.memory_space<vmem_shared>> -> memref<128x128xf32, #tpu.memory_space<vmem_shared>>
      %dma_start3A_30 = arith.constant 0 : i32
      %dma_start3A_31 = tpu.memref_slice %arg6[%add3A_6, %dma_start3A_30] : memref<10240x128xf32, #tpu.memory_space<vmem_shared>> -> memref<128x128xf32, #tpu.memory_space<vmem_shared>>
      tpu.enqueue_dma source(%arg8 : memref<128x128xf32, #tpu.memory_space<vmem>>) target(%dma_start3A_31 : memref<128x128xf32, #tpu.memory_space<vmem_shared>>) target_semaphore(%run_scoped3A : memref<!tpu.dma_semaphore, #tpu.memory_space<semaphore_mem>>)
      %dma_wait3A = arith.constant 0 : i32
      %dma_wait3A_32 = tpu.memref_slice %arg6[%add3A_6, %dma_wait3A] : memref<10240x128xf32, #tpu.memory_space<vmem_shared>> -> memref<128x128xf32, #tpu.memory_space<vmem_shared>>
      %dma_wait3A_33 = arith.constant 0 : i32
      %dma_wait3A_34 = tpu.memref_slice %arg6[%add3A_6, %dma_wait3A_33] : memref<10240x128xf32, #tpu.memory_space<vmem_shared>> -> memref<128x128xf32, #tpu.memory_space<vmem_shared>>
      tpu.wait_dma2 semaphore(%run_scoped3A : memref<!tpu.dma_semaphore, #tpu.memory_space<semaphore_mem>>) src(%arg8 : memref<128x128xf32, #tpu.memory_space<vmem>>) dst(%dma_wait3A_34 : memref<128x128xf32, #tpu.memory_space<vmem_shared>>)
      tpu.yield
    }) : () -> ()
    %add3A_7 = arith.constant 256 : i32
    %add3A_8 = arith.addi %mul3A_2, %add3A_7 : i32
    "tpu.region"() ({
      %run_scoped3A = tpu.sem_alloc : memref<!tpu.dma_semaphore, #tpu.memory_space<semaphore_mem>>
      %dma_start3A = arith.constant 0 : i32
      %dma_start3A_29 = tpu.memref_slice %arg6[%add3A_8, %dma_start3A] : memref<10240x128xf32, #tpu.memory_space<vmem_shared>> -> memref<128x128xf32, #tpu.memory_space<vmem_shared>>
      %dma_start3A_30 = arith.constant 0 : i32
      %dma_start3A_31 = tpu.memref_slice %arg6[%add3A_8, %dma_start3A_30] : memref<10240x128xf32, #tpu.memory_space<vmem_shared>> -> memref<128x128xf32, #tpu.memory_space<vmem_shared>>
      tpu.enqueue_dma source(%arg8 : memref<128x128xf32, #tpu.memory_space<vmem>>) target(%dma_start3A_31 : memref<128x128xf32, #tpu.memory_space<vmem_shared>>) target_semaphore(%run_scoped3A : memref<!tpu.dma_semaphore, #tpu.memory_space<semaphore_mem>>)
      %dma_wait3A = arith.constant 0 : i32
      %dma_wait3A_32 = tpu.memref_slice %arg6[%add3A_8, %dma_wait3A] : memref<10240x128xf32, #tpu.memory_space<vmem_shared>> -> memref<128x128xf32, #tpu.memory_space<vmem_shared>>
      %dma_wait3A_33 = arith.constant 0 : i32
      %dma_wait3A_34 = tpu.memref_slice %arg6[%add3A_8, %dma_wait3A_33] : memref<10240x128xf32, #tpu.memory_space<vmem_shared>> -> memref<128x128xf32, #tpu.memory_space<vmem_shared>>
      tpu.wait_dma2 semaphore(%run_scoped3A : memref<!tpu.dma_semaphore, #tpu.memory_space<semaphore_mem>>) src(%arg8 : memref<128x128xf32, #tpu.memory_space<vmem>>) dst(%dma_wait3A_34 : memref<128x128xf32, #tpu.memory_space<vmem_shared>>)
      tpu.yield
    }) : () -> ()
    %add3A_9 = arith.constant 384 : i32
    %add3A_10 = arith.addi %mul3A_2, %add3A_9 : i32
    "tpu.region"() ({
      %run_scoped3A = tpu.sem_alloc : memref<!tpu.dma_semaphore, #tpu.memory_space<semaphore_mem>>
      %dma_start3A = arith.constant 0 : i32
      %dma_start3A_29 = tpu.memref_slice %arg6[%add3A_10, %dma_start3A] : memref<10240x128xf32, #tpu.memory_space<vmem_shared>> -> memref<128x128xf32, #tpu.memory_space<vmem_shared>>
      %dma_start3A_30 = arith.constant 0 : i32
      %dma_start3A_31 = tpu.memref_slice %arg6[%add3A_10, %dma_start3A_30] : memref<10240x128xf32, #tpu.memory_space<vmem_shared>> -> memref<128x128xf32, #tpu.memory_space<vmem_shared>>
      tpu.enqueue_dma source(%arg8 : memref<128x128xf32, #tpu.memory_space<vmem>>) target(%dma_start3A_31 : memref<128x128xf32, #tpu.memory_space<vmem_shared>>) target_semaphore(%run_scoped3A : memref<!tpu.dma_semaphore, #tpu.memory_space<semaphore_mem>>)
      %dma_wait3A = arith.constant 0 : i32
      %dma_wait3A_32 = tpu.memref_slice %arg6[%add3A_10, %dma_wait3A] : memref<10240x128xf32, #tpu.memory_space<vmem_shared>> -> memref<128x128xf32, #tpu.memory_space<vmem_shared>>
      %dma_wait3A_33 = arith.constant 0 : i32
      %dma_wait3A_34 = tpu.memref_slice %arg6[%add3A_10, %dma_wait3A_33] : memref<10240x128xf32, #tpu.memory_space<vmem_shared>> -> memref<128x128xf32, #tpu.memory_space<vmem_shared>>
      tpu.wait_dma2 semaphore(%run_scoped3A : memref<!tpu.dma_semaphore, #tpu.memory_space<semaphore_mem>>) src(%arg8 : memref<128x128xf32, #tpu.memory_space<vmem>>) dst(%dma_wait3A_34 : memref<128x128xf32, #tpu.memory_space<vmem_shared>>)
      tpu.yield
    }) : () -> ()
    %add3A_11 = arith.constant 512 : i32
    %add3A_12 = arith.addi %mul3A_2, %add3A_11 : i32
    "tpu.region"() ({
      %run_scoped3A = tpu.sem_alloc : memref<!tpu.dma_semaphore, #tpu.memory_space<semaphore_mem>>
      %dma_start3A = arith.constant 0 : i32
      %dma_start3A_29 = tpu.memref_slice %arg6[%add3A_12, %dma_start3A] : memref<10240x128xf32, #tpu.memory_space<vmem_shared>> -> memref<128x128xf32, #tpu.memory_space<vmem_shared>>
      %dma_start3A_30 = arith.constant 0 : i32
      %dma_start3A_31 = tpu.memref_slice %arg6[%add3A_12, %dma_start3A_30] : memref<10240x128xf32, #tpu.memory_space<vmem_shared>> -> memref<128x128xf32, #tpu.memory_space<vmem_shared>>
      tpu.enqueue_dma source(%arg8 : memref<128x128xf32, #tpu.memory_space<vmem>>) target(%dma_start3A_31 : memref<128x128xf32, #tpu.memory_space<vmem_shared>>) target_semaphore(%run_scoped3A : memref<!tpu.dma_semaphore, #tpu.memory_space<semaphore_mem>>)
      %dma_wait3A = arith.constant 0 : i32
      %dma_wait3A_32 = tpu.memref_slice %arg6[%add3A_12, %dma_wait3A] : memref<10240x128xf32, #tpu.memory_space<vmem_shared>> -> memref<128x128xf32, #tpu.memory_space<vmem_shared>>
      %dma_wait3A_33 = arith.constant 0 : i32
      %dma_wait3A_34 = tpu.memref_slice %arg6[%add3A_12, %dma_wait3A_33] : memref<10240x128xf32, #tpu.memory_space<vmem_shared>> -> memref<128x128xf32, #tpu.memory_space<vmem_shared>>
      tpu.wait_dma2 semaphore(%run_scoped3A : memref<!tpu.dma_semaphore, #tpu.memory_space<semaphore_mem>>) src(%arg8 : memref<128x128xf32, #tpu.memory_space<vmem>>) dst(%dma_wait3A_34 : memref<128x128xf32, #tpu.memory_space<vmem_shared>>)
      tpu.yield
    }) : () -> ()
    %barrier3A = arith.constant 0 : index
    tpu.barrier barrier_id(%barrier3A)
    "tpu.region"() ({
      %run_scoped3A = tpu.sem_alloc : memref<!tpu.dma_semaphore, #tpu.memory_space<semaphore_mem>>
      tpu.enqueue_dma source(%arg4 : memref<128x128xf32, #tpu.memory_space<hbm>>) target(%arg8 : memref<128x128xf32, #tpu.memory_space<vmem>>) target_semaphore(%run_scoped3A : memref<!tpu.dma_semaphore, #tpu.memory_space<semaphore_mem>>)
      tpu.wait_dma2 semaphore(%run_scoped3A : memref<!tpu.dma_semaphore, #tpu.memory_space<semaphore_mem>>) src(%arg4 : memref<128x128xf32, #tpu.memory_space<hbm>>) dst(%arg8 : memref<128x128xf32, #tpu.memory_space<vmem>>)
      tpu.yield
    }) : () -> ()
    "tpu.region"() ({
      %run_scoped3A = tpu.sem_alloc : memref<!tpu.dma_semaphore, #tpu.memory_space<semaphore_mem>>
      %dma_start3A = arith.constant 0 : i32
      %dma_start3A_29 = arith.constant 0 : i32
      %dma_start3A_30 = tpu.memref_slice %arg2[%add3A, %dma_start3A, %dma_start3A_29] : memref<32x79x128xi32, #tpu.memory_space<hbm>> -> memref<1x79x128xi32, #tpu.memory_space<hbm>>
      %dma_start3A_31 = tpu.memref_squeeze %dma_start3A_30 : memref<1x79x128xi32, #tpu.memory_space<hbm>> -> memref<79x128xi32, #tpu.memory_space<hbm>>
      %dma_start3A_32 = arith.constant 0 : i32
      %dma_start3A_33 = arith.constant 0 : i32
      %dma_start3A_34 = tpu.memref_slice %arg2[%add3A, %dma_start3A_32, %dma_start3A_33] : memref<32x79x128xi32, #tpu.memory_space<hbm>> -> memref<1x79x128xi32, #tpu.memory_space<hbm>>
      %dma_start3A_35 = tpu.memref_squeeze %dma_start3A_34 : memref<1x79x128xi32, #tpu.memory_space<hbm>> -> memref<79x128xi32, #tpu.memory_space<hbm>>
      tpu.enqueue_dma source(%dma_start3A_35 : memref<79x128xi32, #tpu.memory_space<hbm>>) target(%arg7 : memref<79x128xi32, #tpu.memory_space<vmem>>) target_semaphore(%run_scoped3A : memref<!tpu.dma_semaphore, #tpu.memory_space<semaphore_mem>>)
      %dma_wait3A = arith.constant 0 : i32
      %dma_wait3A_36 = arith.constant 0 : i32
      %dma_wait3A_37 = tpu.memref_slice %arg2[%add3A, %dma_wait3A, %dma_wait3A_36] : memref<32x79x128xi32, #tpu.memory_space<hbm>> -> memref<1x79x128xi32, #tpu.memory_space<hbm>>
      %dma_wait3A_38 = tpu.memref_squeeze %dma_wait3A_37 : memref<1x79x128xi32, #tpu.memory_space<hbm>> -> memref<79x128xi32, #tpu.memory_space<hbm>>
      %dma_wait3A_39 = arith.constant 0 : i32
      %dma_wait3A_40 = arith.constant 0 : i32
      %dma_wait3A_41 = tpu.memref_slice %arg2[%add3A, %dma_wait3A_39, %dma_wait3A_40] : memref<32x79x128xi32, #tpu.memory_space<hbm>> -> memref<1x79x128xi32, #tpu.memory_space<hbm>>
      %dma_wait3A_42 = tpu.memref_squeeze %dma_wait3A_41 : memref<1x79x128xi32, #tpu.memory_space<hbm>> -> memref<79x128xi32, #tpu.memory_space<hbm>>
      tpu.wait_dma2 semaphore(%run_scoped3A : memref<!tpu.dma_semaphore, #tpu.memory_space<semaphore_mem>>) src(%dma_wait3A_42 : memref<79x128xi32, #tpu.memory_space<hbm>>) dst(%arg7 : memref<79x128xi32, #tpu.memory_space<vmem>>)
      tpu.yield
    }) : () -> ()
    %scan3A = arith.constant 0 : i32
    %scan3A_13 = arith.constant 0 : i32
    %scan3A_14 = arith.constant 79 : i32
    %scan3A_15 = arith.addi %scan3A_13, %scan3A_14 : i32
    %scan3A_16 = arith.constant 1 : i32
    scf.for %scan3A_29 = %scan3A_13 to %scan3A_15 step %scan3A_16  : i32 {
      %dma_start3A = arith.constant 0 : i32
      %dma_start3A_30 = tpu.memref_slice %arg7[%scan3A_29, %dma_start3A] : memref<79x128xi32, #tpu.memory_space<vmem>> -> memref<1x128xi32, #tpu.memory_space<vmem>>
      %dma_start3A_31 = tpu.memref_squeeze %dma_start3A_30 : memref<1x128xi32, #tpu.memory_space<vmem>> -> memref<128xi32, #tpu.memory_space<vmem>>
      %dma_start3A_32 = arith.constant 0 : i32
      %dma_start3A_33 = arith.constant 0 : i32
      %dma_start3A_34 = tpu.memref_slice %arg6[%dma_start3A_32, %dma_start3A_33] : memref<10240x128xf32, #tpu.memory_space<vmem_shared>> -> memref<10240x128xf32, #tpu.memory_space<vmem_shared>>
      tpu.enqueue_indirect_dma source(%arg8 : memref<128x128xf32, #tpu.memory_space<vmem>>) target(%dma_start3A_34 : memref<10240x128xf32, #tpu.memory_space<vmem_shared>>) offsets(%dma_start3A_31 : memref<128xi32, #tpu.memory_space<vmem>>) semaphore(%arg9 : memref<!tpu.dma_semaphore, #tpu.memory_space<semaphore_mem>>) {add = true}
      %dma_wait3A = arith.constant 0 : i32
      %dma_wait3A_35 = tpu.memref_slice %arg7[%scan3A_29, %dma_wait3A] : memref<79x128xi32, #tpu.memory_space<vmem>> -> memref<1x128xi32, #tpu.memory_space<vmem>>
      %dma_wait3A_36 = tpu.memref_squeeze %dma_wait3A_35 : memref<1x128xi32, #tpu.memory_space<vmem>> -> memref<128xi32, #tpu.memory_space<vmem>>
      %dma_wait3A_37 = arith.constant 0 : i32
      %dma_wait3A_38 = arith.constant 0 : i32
      %dma_wait3A_39 = tpu.memref_slice %arg6[%dma_wait3A_37, %dma_wait3A_38] : memref<10240x128xf32, #tpu.memory_space<vmem_shared>> -> memref<10240x128xf32, #tpu.memory_space<vmem_shared>>
      tpu.wait_indirect_dma semaphore(%arg9 : memref<!tpu.dma_semaphore, #tpu.memory_space<semaphore_mem>>) src(%arg8 : memref<128x128xf32, #tpu.memory_space<vmem>>) dst(%dma_wait3A_39 : memref<10240x128xf32, #tpu.memory_space<vmem_shared>>)
    }
    %scan3A_17 = arith.constant 79 : i32
    %barrier3A_18 = arith.constant 0 : index
    tpu.barrier barrier_id(%barrier3A_18)
    %add3A_19 = arith.constant 0 : i32
    %add3A_20 = arith.addi %mul3A_2, %add3A_19 : i32
    "tpu.region"() ({
      %run_scoped3A = tpu.sem_alloc : memref<!tpu.dma_semaphore, #tpu.memory_space<semaphore_mem>>
      %dma_start3A = arith.constant 0 : i32
      %dma_start3A_29 = tpu.memref_slice %arg6[%add3A_20, %dma_start3A] : memref<10240x128xf32, #tpu.memory_space<vmem_shared>> -> memref<128x128xf32, #tpu.memory_space<vmem_shared>>
      %dma_start3A_30 = arith.constant 0 : i32
      %dma_start3A_31 = tpu.memref_slice %arg6[%add3A_20, %dma_start3A_30] : memref<10240x128xf32, #tpu.memory_space<vmem_shared>> -> memref<128x128xf32, #tpu.memory_space<vmem_shared>>
      tpu.enqueue_dma source(%dma_start3A_31 : memref<128x128xf32, #tpu.memory_space<vmem_shared>>) target(%arg8 : memref<128x128xf32, #tpu.memory_space<vmem>>) target_semaphore(%run_scoped3A : memref<!tpu.dma_semaphore, #tpu.memory_space<semaphore_mem>>)
      %dma_wait3A = arith.constant 0 : i32
      %dma_wait3A_32 = tpu.memref_slice %arg6[%add3A_20, %dma_wait3A] : memref<10240x128xf32, #tpu.memory_space<vmem_shared>> -> memref<128x128xf32, #tpu.memory_space<vmem_shared>>
      %dma_wait3A_33 = arith.constant 0 : i32
      %dma_wait3A_34 = tpu.memref_slice %arg6[%add3A_20, %dma_wait3A_33] : memref<10240x128xf32, #tpu.memory_space<vmem_shared>> -> memref<128x128xf32, #tpu.memory_space<vmem_shared>>
      tpu.wait_dma2 semaphore(%run_scoped3A : memref<!tpu.dma_semaphore, #tpu.memory_space<semaphore_mem>>) src(%dma_wait3A_34 : memref<128x128xf32, #tpu.memory_space<vmem_shared>>) dst(%arg8 : memref<128x128xf32, #tpu.memory_space<vmem>>)
      tpu.yield
    }) : () -> ()
    "tpu.region"() ({
      %run_scoped3A = tpu.sem_alloc : memref<!tpu.dma_semaphore, #tpu.memory_space<semaphore_mem>>
      %dma_start3A = arith.constant 0 : i32
      %dma_start3A_29 = tpu.memref_slice %arg5[%arg0, %add3A_20, %dma_start3A] : memref<2x10240x128xf32, #tpu.memory_space<hbm>> -> memref<1x128x128xf32, #tpu.memory_space<hbm>>
      %dma_start3A_30 = tpu.memref_squeeze %dma_start3A_29 : memref<1x128x128xf32, #tpu.memory_space<hbm>> -> memref<128x128xf32, #tpu.memory_space<hbm>>
      %dma_start3A_31 = arith.constant 0 : i32
      %dma_start3A_32 = tpu.memref_slice %arg5[%arg0, %add3A_20, %dma_start3A_31] : memref<2x10240x128xf32, #tpu.memory_space<hbm>> -> memref<1x128x128xf32, #tpu.memory_space<hbm>>
      %dma_start3A_33 = tpu.memref_squeeze %dma_start3A_32 : memref<1x128x128xf32, #tpu.memory_space<hbm>> -> memref<128x128xf32, #tpu.memory_space<hbm>>
      tpu.enqueue_dma source(%arg8 : memref<128x128xf32, #tpu.memory_space<vmem>>) target(%dma_start3A_33 : memref<128x128xf32, #tpu.memory_space<hbm>>) target_semaphore(%run_scoped3A : memref<!tpu.dma_semaphore, #tpu.memory_space<semaphore_mem>>)
      %dma_wait3A = arith.constant 0 : i32
      %dma_wait3A_34 = tpu.memref_slice %arg5[%arg0, %add3A_20, %dma_wait3A] : memref<2x10240x128xf32, #tpu.memory_space<hbm>> -> memref<1x128x128xf32, #tpu.memory_space<hbm>>
      %dma_wait3A_35 = tpu.memref_squeeze %dma_wait3A_34 : memref<1x128x128xf32, #tpu.memory_space<hbm>> -> memref<128x128xf32, #tpu.memory_space<hbm>>
      %dma_wait3A_36 = arith.constant 0 : i32
      %dma_wait3A_37 = tpu.memref_slice %arg5[%arg0, %add3A_20, %dma_wait3A_36] : memref<2x10240x128xf32, #tpu.memory_space<hbm>> -> memref<1x128x128xf32, #tpu.memory_space<hbm>>
      %dma_wait3A_38 = tpu.memref_squeeze %dma_wait3A_37 : memref<1x128x128xf32, #tpu.memory_space<hbm>> -> memref<128x128xf32, #tpu.memory_space<hbm>>
      tpu.wait_dma2 semaphore(%run_scoped3A : memref<!tpu.dma_semaphore, #tpu.memory_space<semaphore_mem>>) src(%arg8 : memref<128x128xf32, #tpu.memory_space<vmem>>) dst(%dma_wait3A_38 : memref<128x128xf32, #tpu.memory_space<hbm>>)
      tpu.yield
    }) : () -> ()
    %add3A_21 = arith.constant 128 : i32
    %add3A_22 = arith.addi %mul3A_2, %add3A_21 : i32
    "tpu.region"() ({
      %run_scoped3A = tpu.sem_alloc : memref<!tpu.dma_semaphore, #tpu.memory_space<semaphore_mem>>
      %dma_start3A = arith.constant 0 : i32
      %dma_start3A_29 = tpu.memref_slice %arg6[%add3A_22, %dma_start3A] : memref<10240x128xf32, #tpu.memory_space<vmem_shared>> -> memref<128x128xf32, #tpu.memory_space<vmem_shared>>
      %dma_start3A_30 = arith.constant 0 : i32
      %dma_start3A_31 = tpu.memref_slice %arg6[%add3A_22, %dma_start3A_30] : memref<10240x128xf32, #tpu.memory_space<vmem_shared>> -> memref<128x128xf32, #tpu.memory_space<vmem_shared>>
      tpu.enqueue_dma source(%dma_start3A_31 : memref<128x128xf32, #tpu.memory_space<vmem_shared>>) target(%arg8 : memref<128x128xf32, #tpu.memory_space<vmem>>) target_semaphore(%run_scoped3A : memref<!tpu.dma_semaphore, #tpu.memory_space<semaphore_mem>>)
      %dma_wait3A = arith.constant 0 : i32
      %dma_wait3A_32 = tpu.memref_slice %arg6[%add3A_22, %dma_wait3A] : memref<10240x128xf32, #tpu.memory_space<vmem_shared>> -> memref<128x128xf32, #tpu.memory_space<vmem_shared>>
      %dma_wait3A_33 = arith.constant 0 : i32
      %dma_wait3A_34 = tpu.memref_slice %arg6[%add3A_22, %dma_wait3A_33] : memref<10240x128xf32, #tpu.memory_space<vmem_shared>> -> memref<128x128xf32, #tpu.memory_space<vmem_shared>>
      tpu.wait_dma2 semaphore(%run_scoped3A : memref<!tpu.dma_semaphore, #tpu.memory_space<semaphore_mem>>) src(%dma_wait3A_34 : memref<128x128xf32, #tpu.memory_space<vmem_shared>>) dst(%arg8 : memref<128x128xf32, #tpu.memory_space<vmem>>)
      tpu.yield
    }) : () -> ()
    "tpu.region"() ({
      %run_scoped3A = tpu.sem_alloc : memref<!tpu.dma_semaphore, #tpu.memory_space<semaphore_mem>>
      %dma_start3A = arith.constant 0 : i32
      %dma_start3A_29 = tpu.memref_slice %arg5[%arg0, %add3A_22, %dma_start3A] : memref<2x10240x128xf32, #tpu.memory_space<hbm>> -> memref<1x128x128xf32, #tpu.memory_space<hbm>>
      %dma_start3A_30 = tpu.memref_squeeze %dma_start3A_29 : memref<1x128x128xf32, #tpu.memory_space<hbm>> -> memref<128x128xf32, #tpu.memory_space<hbm>>
      %dma_start3A_31 = arith.constant 0 : i32
      %dma_start3A_32 = tpu.memref_slice %arg5[%arg0, %add3A_22, %dma_start3A_31] : memref<2x10240x128xf32, #tpu.memory_space<hbm>> -> memref<1x128x128xf32, #tpu.memory_space<hbm>>
      %dma_start3A_33 = tpu.memref_squeeze %dma_start3A_32 : memref<1x128x128xf32, #tpu.memory_space<hbm>> -> memref<128x128xf32, #tpu.memory_space<hbm>>
      tpu.enqueue_dma source(%arg8 : memref<128x128xf32, #tpu.memory_space<vmem>>) target(%dma_start3A_33 : memref<128x128xf32, #tpu.memory_space<hbm>>) target_semaphore(%run_scoped3A : memref<!tpu.dma_semaphore, #tpu.memory_space<semaphore_mem>>)
      %dma_wait3A = arith.constant 0 : i32
      %dma_wait3A_34 = tpu.memref_slice %arg5[%arg0, %add3A_22, %dma_wait3A] : memref<2x10240x128xf32, #tpu.memory_space<hbm>> -> memref<1x128x128xf32, #tpu.memory_space<hbm>>
      %dma_wait3A_35 = tpu.memref_squeeze %dma_wait3A_34 : memref<1x128x128xf32, #tpu.memory_space<hbm>> -> memref<128x128xf32, #tpu.memory_space<hbm>>
      %dma_wait3A_36 = arith.constant 0 : i32
      %dma_wait3A_37 = tpu.memref_slice %arg5[%arg0, %add3A_22, %dma_wait3A_36] : memref<2x10240x128xf32, #tpu.memory_space<hbm>> -> memref<1x128x128xf32, #tpu.memory_space<hbm>>
      %dma_wait3A_38 = tpu.memref_squeeze %dma_wait3A_37 : memref<1x128x128xf32, #tpu.memory_space<hbm>> -> memref<128x128xf32, #tpu.memory_space<hbm>>
      tpu.wait_dma2 semaphore(%run_scoped3A : memref<!tpu.dma_semaphore, #tpu.memory_space<semaphore_mem>>) src(%arg8 : memref<128x128xf32, #tpu.memory_space<vmem>>) dst(%dma_wait3A_38 : memref<128x128xf32, #tpu.memory_space<hbm>>)
      tpu.yield
    }) : () -> ()
    %add3A_23 = arith.constant 256 : i32
    %add3A_24 = arith.addi %mul3A_2, %add3A_23 : i32
    "tpu.region"() ({
      %run_scoped3A = tpu.sem_alloc : memref<!tpu.dma_semaphore, #tpu.memory_space<semaphore_mem>>
      %dma_start3A = arith.constant 0 : i32
      %dma_start3A_29 = tpu.memref_slice %arg6[%add3A_24, %dma_start3A] : memref<10240x128xf32, #tpu.memory_space<vmem_shared>> -> memref<128x128xf32, #tpu.memory_space<vmem_shared>>
      %dma_start3A_30 = arith.constant 0 : i32
      %dma_start3A_31 = tpu.memref_slice %arg6[%add3A_24, %dma_start3A_30] : memref<10240x128xf32, #tpu.memory_space<vmem_shared>> -> memref<128x128xf32, #tpu.memory_space<vmem_shared>>
      tpu.enqueue_dma source(%dma_start3A_31 : memref<128x128xf32, #tpu.memory_space<vmem_shared>>) target(%arg8 : memref<128x128xf32, #tpu.memory_space<vmem>>) target_semaphore(%run_scoped3A : memref<!tpu.dma_semaphore, #tpu.memory_space<semaphore_mem>>)
      %dma_wait3A = arith.constant 0 : i32
      %dma_wait3A_32 = tpu.memref_slice %arg6[%add3A_24, %dma_wait3A] : memref<10240x128xf32, #tpu.memory_space<vmem_shared>> -> memref<128x128xf32, #tpu.memory_space<vmem_shared>>
      %dma_wait3A_33 = arith.constant 0 : i32
      %dma_wait3A_34 = tpu.memref_slice %arg6[%add3A_24, %dma_wait3A_33] : memref<10240x128xf32, #tpu.memory_space<vmem_shared>> -> memref<128x128xf32, #tpu.memory_space<vmem_shared>>
      tpu.wait_dma2 semaphore(%run_scoped3A : memref<!tpu.dma_semaphore, #tpu.memory_space<semaphore_mem>>) src(%dma_wait3A_34 : memref<128x128xf32, #tpu.memory_space<vmem_shared>>) dst(%arg8 : memref<128x128xf32, #tpu.memory_space<vmem>>)
      tpu.yield
    }) : () -> ()
    "tpu.region"() ({
      %run_scoped3A = tpu.sem_alloc : memref<!tpu.dma_semaphore, #tpu.memory_space<semaphore_mem>>
      %dma_start3A = arith.constant 0 : i32
      %dma_start3A_29 = tpu.memref_slice %arg5[%arg0, %add3A_24, %dma_start3A] : memref<2x10240x128xf32, #tpu.memory_space<hbm>> -> memref<1x128x128xf32, #tpu.memory_space<hbm>>
      %dma_start3A_30 = tpu.memref_squeeze %dma_start3A_29 : memref<1x128x128xf32, #tpu.memory_space<hbm>> -> memref<128x128xf32, #tpu.memory_space<hbm>>
      %dma_start3A_31 = arith.constant 0 : i32
      %dma_start3A_32 = tpu.memref_slice %arg5[%arg0, %add3A_24, %dma_start3A_31] : memref<2x10240x128xf32, #tpu.memory_space<hbm>> -> memref<1x128x128xf32, #tpu.memory_space<hbm>>
      %dma_start3A_33 = tpu.memref_squeeze %dma_start3A_32 : memref<1x128x128xf32, #tpu.memory_space<hbm>> -> memref<128x128xf32, #tpu.memory_space<hbm>>
      tpu.enqueue_dma source(%arg8 : memref<128x128xf32, #tpu.memory_space<vmem>>) target(%dma_start3A_33 : memref<128x128xf32, #tpu.memory_space<hbm>>) target_semaphore(%run_scoped3A : memref<!tpu.dma_semaphore, #tpu.memory_space<semaphore_mem>>)
      %dma_wait3A = arith.constant 0 : i32
      %dma_wait3A_34 = tpu.memref_slice %arg5[%arg0, %add3A_24, %dma_wait3A] : memref<2x10240x128xf32, #tpu.memory_space<hbm>> -> memref<1x128x128xf32, #tpu.memory_space<hbm>>
      %dma_wait3A_35 = tpu.memref_squeeze %dma_wait3A_34 : memref<1x128x128xf32, #tpu.memory_space<hbm>> -> memref<128x128xf32, #tpu.memory_space<hbm>>
      %dma_wait3A_36 = arith.constant 0 : i32
      %dma_wait3A_37 = tpu.memref_slice %arg5[%arg0, %add3A_24, %dma_wait3A_36] : memref<2x10240x128xf32, #tpu.memory_space<hbm>> -> memref<1x128x128xf32, #tpu.memory_space<hbm>>
      %dma_wait3A_38 = tpu.memref_squeeze %dma_wait3A_37 : memref<1x128x128xf32, #tpu.memory_space<hbm>> -> memref<128x128xf32, #tpu.memory_space<hbm>>
      tpu.wait_dma2 semaphore(%run_scoped3A : memref<!tpu.dma_semaphore, #tpu.memory_space<semaphore_mem>>) src(%arg8 : memref<128x128xf32, #tpu.memory_space<vmem>>) dst(%dma_wait3A_38 : memref<128x128xf32, #tpu.memory_space<hbm>>)
      tpu.yield
    }) : () -> ()
    %add3A_25 = arith.constant 384 : i32
    %add3A_26 = arith.addi %mul3A_2, %add3A_25 : i32
    "tpu.region"() ({
      %run_scoped3A = tpu.sem_alloc : memref<!tpu.dma_semaphore, #tpu.memory_space<semaphore_mem>>
      %dma_start3A = arith.constant 0 : i32
      %dma_start3A_29 = tpu.memref_slice %arg6[%add3A_26, %dma_start3A] : memref<10240x128xf32, #tpu.memory_space<vmem_shared>> -> memref<128x128xf32, #tpu.memory_space<vmem_shared>>
      %dma_start3A_30 = arith.constant 0 : i32
      %dma_start3A_31 = tpu.memref_slice %arg6[%add3A_26, %dma_start3A_30] : memref<10240x128xf32, #tpu.memory_space<vmem_shared>> -> memref<128x128xf32, #tpu.memory_space<vmem_shared>>
      tpu.enqueue_dma source(%dma_start3A_31 : memref<128x128xf32, #tpu.memory_space<vmem_shared>>) target(%arg8 : memref<128x128xf32, #tpu.memory_space<vmem>>) target_semaphore(%run_scoped3A : memref<!tpu.dma_semaphore, #tpu.memory_space<semaphore_mem>>)
      %dma_wait3A = arith.constant 0 : i32
      %dma_wait3A_32 = tpu.memref_slice %arg6[%add3A_26, %dma_wait3A] : memref<10240x128xf32, #tpu.memory_space<vmem_shared>> -> memref<128x128xf32, #tpu.memory_space<vmem_shared>>
      %dma_wait3A_33 = arith.constant 0 : i32
      %dma_wait3A_34 = tpu.memref_slice %arg6[%add3A_26, %dma_wait3A_33] : memref<10240x128xf32, #tpu.memory_space<vmem_shared>> -> memref<128x128xf32, #tpu.memory_space<vmem_shared>>
      tpu.wait_dma2 semaphore(%run_scoped3A : memref<!tpu.dma_semaphore, #tpu.memory_space<semaphore_mem>>) src(%dma_wait3A_34 : memref<128x128xf32, #tpu.memory_space<vmem_shared>>) dst(%arg8 : memref<128x128xf32, #tpu.memory_space<vmem>>)
      tpu.yield
    }) : () -> ()
    "tpu.region"() ({
      %run_scoped3A = tpu.sem_alloc : memref<!tpu.dma_semaphore, #tpu.memory_space<semaphore_mem>>
      %dma_start3A = arith.constant 0 : i32
      %dma_start3A_29 = tpu.memref_slice %arg5[%arg0, %add3A_26, %dma_start3A] : memref<2x10240x128xf32, #tpu.memory_space<hbm>> -> memref<1x128x128xf32, #tpu.memory_space<hbm>>
      %dma_start3A_30 = tpu.memref_squeeze %dma_start3A_29 : memref<1x128x128xf32, #tpu.memory_space<hbm>> -> memref<128x128xf32, #tpu.memory_space<hbm>>
      %dma_start3A_31 = arith.constant 0 : i32
      %dma_start3A_32 = tpu.memref_slice %arg5[%arg0, %add3A_26, %dma_start3A_31] : memref<2x10240x128xf32, #tpu.memory_space<hbm>> -> memref<1x128x128xf32, #tpu.memory_space<hbm>>
      %dma_start3A_33 = tpu.memref_squeeze %dma_start3A_32 : memref<1x128x128xf32, #tpu.memory_space<hbm>> -> memref<128x128xf32, #tpu.memory_space<hbm>>
      tpu.enqueue_dma source(%arg8 : memref<128x128xf32, #tpu.memory_space<vmem>>) target(%dma_start3A_33 : memref<128x128xf32, #tpu.memory_space<hbm>>) target_semaphore(%run_scoped3A : memref<!tpu.dma_semaphore, #tpu.memory_space<semaphore_mem>>)
      %dma_wait3A = arith.constant 0 : i32
      %dma_wait3A_34 = tpu.memref_slice %arg5[%arg0, %add3A_26, %dma_wait3A] : memref<2x10240x128xf32, #tpu.memory_space<hbm>> -> memref<1x128x128xf32, #tpu.memory_space<hbm>>
      %dma_wait3A_35 = tpu.memref_squeeze %dma_wait3A_34 : memref<1x128x128xf32, #tpu.memory_space<hbm>> -> memref<128x128xf32, #tpu.memory_space<hbm>>
      %dma_wait3A_36 = arith.constant 0 : i32
      %dma_wait3A_37 = tpu.memref_slice %arg5[%arg0, %add3A_26, %dma_wait3A_36] : memref<2x10240x128xf32, #tpu.memory_space<hbm>> -> memref<1x128x128xf32, #tpu.memory_space<hbm>>
      %dma_wait3A_38 = tpu.memref_squeeze %dma_wait3A_37 : memref<1x128x128xf32, #tpu.memory_space<hbm>> -> memref<128x128xf32, #tpu.memory_space<hbm>>
      tpu.wait_dma2 semaphore(%run_scoped3A : memref<!tpu.dma_semaphore, #tpu.memory_space<semaphore_mem>>) src(%arg8 : memref<128x128xf32, #tpu.memory_space<vmem>>) dst(%dma_wait3A_38 : memref<128x128xf32, #tpu.memory_space<hbm>>)
      tpu.yield
    }) : () -> ()
    %add3A_27 = arith.constant 512 : i32
    %add3A_28 = arith.addi %mul3A_2, %add3A_27 : i32
    "tpu.region"() ({
      %run_scoped3A = tpu.sem_alloc : memref<!tpu.dma_semaphore, #tpu.memory_space<semaphore_mem>>
      %dma_start3A = arith.constant 0 : i32
      %dma_start3A_29 = tpu.memref_slice %arg6[%add3A_28, %dma_start3A] : memref<10240x128xf32, #tpu.memory_space<vmem_shared>> -> memref<128x128xf32, #tpu.memory_space<vmem_shared>>
      %dma_start3A_30 = arith.constant 0 : i32
      %dma_start3A_31 = tpu.memref_slice %arg6[%add3A_28, %dma_start3A_30] : memref<10240x128xf32, #tpu.memory_space<vmem_shared>> -> memref<128x128xf32, #tpu.memory_space<vmem_shared>>
      tpu.enqueue_dma source(%dma_start3A_31 : memref<128x128xf32, #tpu.memory_space<vmem_shared>>) target(%arg8 : memref<128x128xf32, #tpu.memory_space<vmem>>) target_semaphore(%run_scoped3A : memref<!tpu.dma_semaphore, #tpu.memory_space<semaphore_mem>>)
      %dma_wait3A = arith.constant 0 : i32
      %dma_wait3A_32 = tpu.memref_slice %arg6[%add3A_28, %dma_wait3A] : memref<10240x128xf32, #tpu.memory_space<vmem_shared>> -> memref<128x128xf32, #tpu.memory_space<vmem_shared>>
      %dma_wait3A_33 = arith.constant 0 : i32
      %dma_wait3A_34 = tpu.memref_slice %arg6[%add3A_28, %dma_wait3A_33] : memref<10240x128xf32, #tpu.memory_space<vmem_shared>> -> memref<128x128xf32, #tpu.memory_space<vmem_shared>>
      tpu.wait_dma2 semaphore(%run_scoped3A : memref<!tpu.dma_semaphore, #tpu.memory_space<semaphore_mem>>) src(%dma_wait3A_34 : memref<128x128xf32, #tpu.memory_space<vmem_shared>>) dst(%arg8 : memref<128x128xf32, #tpu.memory_space<vmem>>)
      tpu.yield
    }) : () -> ()
    "tpu.region"() ({
      %run_scoped3A = tpu.sem_alloc : memref<!tpu.dma_semaphore, #tpu.memory_space<semaphore_mem>>
      %dma_start3A = arith.constant 0 : i32
      %dma_start3A_29 = tpu.memref_slice %arg5[%arg0, %add3A_28, %dma_start3A] : memref<2x10240x128xf32, #tpu.memory_space<hbm>> -> memref<1x128x128xf32, #tpu.memory_space<hbm>>
      %dma_start3A_30 = tpu.memref_squeeze %dma_start3A_29 : memref<1x128x128xf32, #tpu.memory_space<hbm>> -> memref<128x128xf32, #tpu.memory_space<hbm>>
      %dma_start3A_31 = arith.constant 0 : i32
      %dma_start3A_32 = tpu.memref_slice %arg5[%arg0, %add3A_28, %dma_start3A_31] : memref<2x10240x128xf32, #tpu.memory_space<hbm>> -> memref<1x128x128xf32, #tpu.memory_space<hbm>>
      %dma_start3A_33 = tpu.memref_squeeze %dma_start3A_32 : memref<1x128x128xf32, #tpu.memory_space<hbm>> -> memref<128x128xf32, #tpu.memory_space<hbm>>
      tpu.enqueue_dma source(%arg8 : memref<128x128xf32, #tpu.memory_space<vmem>>) target(%dma_start3A_33 : memref<128x128xf32, #tpu.memory_space<hbm>>) target_semaphore(%run_scoped3A : memref<!tpu.dma_semaphore, #tpu.memory_space<semaphore_mem>>)
      %dma_wait3A = arith.constant 0 : i32
      %dma_wait3A_34 = tpu.memref_slice %arg5[%arg0, %add3A_28, %dma_wait3A] : memref<2x10240x128xf32, #tpu.memory_space<hbm>> -> memref<1x128x128xf32, #tpu.memory_space<hbm>>
      %dma_wait3A_35 = tpu.memref_squeeze %dma_wait3A_34 : memref<1x128x128xf32, #tpu.memory_space<hbm>> -> memref<128x128xf32, #tpu.memory_space<hbm>>
      %dma_wait3A_36 = arith.constant 0 : i32
      %dma_wait3A_37 = tpu.memref_slice %arg5[%arg0, %add3A_28, %dma_wait3A_36] : memref<2x10240x128xf32, #tpu.memory_space<hbm>> -> memref<1x128x128xf32, #tpu.memory_space<hbm>>
      %dma_wait3A_38 = tpu.memref_squeeze %dma_wait3A_37 : memref<1x128x128xf32, #tpu.memory_space<hbm>> -> memref<128x128xf32, #tpu.memory_space<hbm>>
      tpu.wait_dma2 semaphore(%run_scoped3A : memref<!tpu.dma_semaphore, #tpu.memory_space<semaphore_mem>>) src(%arg8 : memref<128x128xf32, #tpu.memory_space<vmem>>) dst(%dma_wait3A_38 : memref<128x128xf32, #tpu.memory_space<hbm>>)
      tpu.yield
    }) : () -> ()
    return
  }
}

module attributes {stable_mosaic.version = 14 : i64} {
  func.func @body(%arg0: i32, %arg1: memref<1000x128xf32, #tpu.memory_space<vmem>>, %arg2: memref<128x128xf32, #tpu.memory_space<vmem>>, %arg3: memref<128x128xf32, #tpu.memory_space<vmem>>, %arg4: memref<1x128xf32, #tpu.memory_space<vmem>>, %arg5: memref<1000x128xf32, #tpu.memory_space<vmem>>, %arg6: memref<1000x128xf32, #tpu.memory_space<vmem>>) attributes {dimension_semantics = [#tpu.dimension_semantics<arbitrary>], iteration_bounds = array<i64: 10>, scalar_prefetch = 0 : i64, scratch_operands = 0 : i64, tpu.core_type = #tpu.core_type<tc>, window_params = [{transform_indices = @transform_0, window_bounds = array<i64: 1000, 128>}, {pipeline_mode = #tpu.pipeline_mode<synchronous>, transform_indices = @transform_1, window_bounds = array<i64: 128, 128>}, {pipeline_mode = #tpu.pipeline_mode<synchronous>, transform_indices = @transform_2, window_bounds = array<i64: 128, 128>}, {pipeline_mode = #tpu.pipeline_mode<synchronous>, transform_indices = @transform_3, window_bounds = array<i64: 1, 128>}, {transform_indices = @transform_4, window_bounds = array<i64: 1000, 128>}, {transform_indices = @transform_5, window_bounds = array<i64: 1000, 128>}]} {
    %get3A = arith.constant 0 : index
    %get3A_0 = arith.constant 0 : index
    %get3A_1 = vector.load %arg1[%get3A, %get3A_0] : memref<1000x128xf32, #tpu.memory_space<vmem>>, vector<1000x128xf32>
    %get3A_2 = arith.constant 0 : index
    %get3A_3 = arith.constant 0 : index
    %get3A_4 = vector.load %arg2[%get3A_2, %get3A_3] : memref<128x128xf32, #tpu.memory_space<vmem>>, vector<128x128xf32>
    %dot_general3A = arith.constant dense<0.000000e+00> : vector<1000x128xf32>
    %dot_general3A_5 = tpu.matmul %get3A_1, %get3A_4, %dot_general3A {dimension_numbers = #tpu.dot_dimension_numbers<[1], [0], [0], [1], [0, 0, 1, 1], [], []>, transpose_lhs_hint = false} : vector<1000x128xf32>, vector<128x128xf32>, vector<1000x128xf32> -> vector<1000x128xf32>
    %swap3A = arith.constant 0 : index
    %swap3A_6 = arith.constant 0 : index
    %swap3A_7 = vector.load %arg5[%swap3A, %swap3A_6] : memref<1000x128xf32, #tpu.memory_space<vmem>>, vector<1000x128xf32>
    tpu.vector_store %arg5[%swap3A, %swap3A_6], %dot_general3A_5 {strides = array<i32>} : memref<1000x128xf32, #tpu.memory_space<vmem>>, vector<1000x128xf32>,
    %get3A_8 = arith.constant 0 : index
    %get3A_9 = arith.constant 0 : index
    %get3A_10 = vector.load %arg3[%get3A_8, %get3A_9] : memref<128x128xf32, #tpu.memory_space<vmem>>, vector<128x128xf32>
    %dot_general3A_11 = arith.constant dense<0.000000e+00> : vector<1000x128xf32>
    %dot_general3A_12 = tpu.matmul %get3A_1, %get3A_10, %dot_general3A_11 {dimension_numbers = #tpu.dot_dimension_numbers<[1], [0], [0], [1], [0, 0, 1, 1], [], []>, transpose_lhs_hint = false} : vector<1000x128xf32>, vector<128x128xf32>, vector<1000x128xf32> -> vector<1000x128xf32>
    %get3A_13 = arith.constant 0 : index
    %get3A_14 = arith.constant 0 : index
    %get3A_15 = vector.load %arg4[%get3A_13, %get3A_14] : memref<1x128xf32, #tpu.memory_space<vmem>>, vector<1x128xf32>
    %add3A = vector.broadcast %get3A_15 : vector<1x128xf32> to vector<1000x128xf32>
    %add3A_16 = arith.addf %dot_general3A_12, %add3A : vector<1000x128xf32>
    %swap3A_17 = arith.constant 0 : index
    %swap3A_18 = arith.constant 0 : index
    %swap3A_19 = vector.load %arg6[%swap3A_17, %swap3A_18] : memref<1000x128xf32, #tpu.memory_space<vmem>>, vector<1000x128xf32>
    tpu.vector_store %arg6[%swap3A_17, %swap3A_18], %add3A_16 {strides = array<i32>} : memref<1000x128xf32, #tpu.memory_space<vmem>>, vector<1000x128xf32>,
    return
  }
  func.func @transform_0(%arg0: i32) -> (i32, i32) {
    %c0_i32 = arith.constant 0 : i32
    %c0_i32_0 = arith.constant 0 : i32
    return %arg0, %c0_i32 : i32, i32
  }
  func.func @transform_1(%arg0: i32) -> (i32, i32) {
    %c0_i32 = arith.constant 0 : i32
    %c0_i32_0 = arith.constant 0 : i32
    %c0_i32_1 = arith.constant 0 : i32
    return %c0_i32, %c0_i32_0 : i32, i32
  }
  func.func @transform_2(%arg0: i32) -> (i32, i32) {
    %c0_i32 = arith.constant 0 : i32
    %c0_i32_0 = arith.constant 0 : i32
    %c0_i32_1 = arith.constant 0 : i32
    return %c0_i32, %c0_i32_0 : i32, i32
  }
  func.func @transform_3(%arg0: i32) -> (i32, i32) {
    %c0_i32 = arith.constant 0 : i32
    %c0_i32_0 = arith.constant 0 : i32
    %c0_i32_1 = arith.constant 0 : i32
    return %c0_i32, %c0_i32_0 : i32, i32
  }
  func.func @transform_4(%arg0: i32) -> (i32, i32) {
    %c0_i32 = arith.constant 0 : i32
    %c0_i32_0 = arith.constant 0 : i32
    return %arg0, %c0_i32 : i32, i32
  }
  func.func @transform_5(%arg0: i32) -> (i32, i32) {
    %c0_i32 = arith.constant 0 : i32
    %c0_i32_0 = arith.constant 0 : i32
    return %arg0, %c0_i32 : i32, i32
  }
}

module attributes {stable_mosaic.version = 14 : i64} {
  func.func @body(%arg0: i32, %arg1: memref<1000x128xf32, #tpu.memory_space<vmem>>, %arg2: memref<2x1000x128xf32, #tpu.memory_space<vmem>>, %arg3: memref<2x1000x128xf32, #tpu.memory_space<vmem>>, %arg4: memref<128x128xf32, #tpu.memory_space<vmem>>, %arg5: memref<128x128xf32, #tpu.memory_space<vmem>>, %arg6: memref<1x128xf32, #tpu.memory_space<vmem>>, %arg7: memref<1000x128xf32, #tpu.memory_space<vmem>>, %arg8: memref<1000x128xf32, #tpu.memory_space<vmem>>) attributes {dimension_semantics = [#tpu.dimension_semantics<arbitrary>], iteration_bounds = array<i64: 10>, scalar_prefetch = 0 : i64, scratch_operands = 0 : i64, tpu.core_type = #tpu.core_type<tc>, window_params = [{transform_indices = @transform_0, window_bounds = array<i64: 1000, 128>}, {transform_indices = @transform_1, window_bounds = array<i64: 2, 1000, 128>}, {transform_indices = @transform_2, window_bounds = array<i64: 2, 1000, 128>}, {pipeline_mode = #tpu.pipeline_mode<synchronous>, transform_indices = @transform_3, window_bounds = array<i64: 128, 128>}, {pipeline_mode = #tpu.pipeline_mode<synchronous>, transform_indices = @transform_4, window_bounds = array<i64: 128, 128>}, {pipeline_mode = #tpu.pipeline_mode<synchronous>, transform_indices = @transform_5, window_bounds = array<i64: 1, 128>}, {transform_indices = @transform_6, window_bounds = array<i64: 1000, 128>}, {transform_indices = @transform_7, window_bounds = array<i64: 1000, 128>}]} {
    %get3A = arith.constant 0 : index
    %get3A_0 = arith.constant 0 : index
    %get3A_1 = arith.constant 0 : index
    %get3A_2 = vector.load %arg2[%get3A, %get3A_0, %get3A_1] : memref<2x1000x128xf32, #tpu.memory_space<vmem>>, vector<1x1000x128xf32>
    %get3A_3 = vector.shape_cast %get3A_2 : vector<1x1000x128xf32> to vector<1000x128xf32>
    %get3A_4 = arith.constant 1 : index
    %get3A_5 = arith.constant 0 : index
    %get3A_6 = arith.constant 0 : index
    %get3A_7 = vector.load %arg2[%get3A_4, %get3A_5, %get3A_6] : memref<2x1000x128xf32, #tpu.memory_space<vmem>>, vector<1x1000x128xf32>
    %get3A_8 = vector.shape_cast %get3A_7 : vector<1x1000x128xf32> to vector<1000x128xf32>
    %add3A = arith.addf %get3A_3, %get3A_8 : vector<1000x128xf32>
    %get3A_9 = arith.constant 0 : index
    %get3A_10 = arith.constant 0 : index
    %get3A_11 = arith.constant 0 : index
    %get3A_12 = vector.load %arg3[%get3A_9, %get3A_10, %get3A_11] : memref<2x1000x128xf32, #tpu.memory_space<vmem>>, vector<1x1000x128xf32>
    %get3A_13 = vector.shape_cast %get3A_12 : vector<1x1000x128xf32> to vector<1000x128xf32>
    %get3A_14 = arith.constant 1 : index
    %get3A_15 = arith.constant 0 : index
    %get3A_16 = arith.constant 0 : index
    %get3A_17 = vector.load %arg3[%get3A_14, %get3A_15, %get3A_16] : memref<2x1000x128xf32, #tpu.memory_space<vmem>>, vector<1x1000x128xf32>
    %get3A_18 = vector.shape_cast %get3A_17 : vector<1x1000x128xf32> to vector<1000x128xf32>
    %add3A_19 = arith.addf %get3A_13, %get3A_18 : vector<1000x128xf32>
    %slice3A = vector.extract_strided_slice %add3A_19 {offsets = [0, 0], sizes = [1000, 1], strides = [1, 1]} : vector<1000x128xf32> to vector<1000x1xf32>
    %max3A = arith.constant 1.000000e+00 : f32
    %max3A_20 = vector.broadcast %max3A : f32 to vector<1000x1xf32>
    %max3A_21 = arith.maximumf %slice3A, %max3A_20 : vector<1000x1xf32>
    %div3A = vector.broadcast %max3A_21 : vector<1000x1xf32> to vector<1000x128xf32>
    %div3A_22 = arith.divf %add3A, %div3A : vector<1000x128xf32>
    %get3A_23 = arith.constant 0 : index
    %get3A_24 = arith.constant 0 : index
    %get3A_25 = vector.load %arg1[%get3A_23, %get3A_24] : memref<1000x128xf32, #tpu.memory_space<vmem>>, vector<1000x128xf32>
    %add3A_26 = arith.addf %div3A_22, %get3A_25 : vector<1000x128xf32>
    %mul3A = arith.mulf %add3A_26, %add3A_26 : vector<1000x128xf32>
    %reduce_sum3A = arith.constant dense<0.000000e+00> : vector<1000xf32>
    %reduce_sum3A_27 = vector.multi_reduction <add>, %mul3A, %reduce_sum3A [1] : vector<1000x128xf32> to vector<1000xf32>
    %broadcast_in_dim3A = vector.shape_cast %reduce_sum3A_27 : vector<1000xf32> to vector<1000x1xf32>
    %sqrt3A = math.sqrt %broadcast_in_dim3A : vector<1000x1xf32>
    %max3A_28 = arith.constant 9.99999996E-13 : f32
    %max3A_29 = vector.broadcast %max3A_28 : f32 to vector<1000x1xf32>
    %max3A_30 = arith.maximumf %sqrt3A, %max3A_29 : vector<1000x1xf32>
    %div3A_31 = vector.broadcast %max3A_30 : vector<1000x1xf32> to vector<1000x128xf32>
    %div3A_32 = arith.divf %add3A_26, %div3A_31 : vector<1000x128xf32>
    %max3A_33 = arith.constant 0.000000e+00 : f32
    %max3A_34 = vector.broadcast %max3A_33 : f32 to vector<1000x128xf32>
    %max3A_35 = arith.maximumf %div3A_32, %max3A_34 : vector<1000x128xf32>
    %get3A_36 = arith.constant 0 : index
    %get3A_37 = arith.constant 0 : index
    %get3A_38 = vector.load %arg4[%get3A_36, %get3A_37] : memref<128x128xf32, #tpu.memory_space<vmem>>, vector<128x128xf32>
    %dot_general3A = arith.constant dense<0.000000e+00> : vector<1000x128xf32>
    %dot_general3A_39 = tpu.matmul %max3A_35, %get3A_38, %dot_general3A {dimension_numbers = #tpu.dot_dimension_numbers<[1], [0], [0], [1], [0, 0, 1, 1], [], []>, transpose_lhs_hint = false} : vector<1000x128xf32>, vector<128x128xf32>, vector<1000x128xf32> -> vector<1000x128xf32>
    %swap3A = arith.constant 0 : index
    %swap3A_40 = arith.constant 0 : index
    %swap3A_41 = vector.load %arg7[%swap3A, %swap3A_40] : memref<1000x128xf32, #tpu.memory_space<vmem>>, vector<1000x128xf32>
    tpu.vector_store %arg7[%swap3A, %swap3A_40], %dot_general3A_39 {strides = array<i32>} : memref<1000x128xf32, #tpu.memory_space<vmem>>, vector<1000x128xf32>,
    %get3A_42 = arith.constant 0 : index
    %get3A_43 = arith.constant 0 : index
    %get3A_44 = vector.load %arg5[%get3A_42, %get3A_43] : memref<128x128xf32, #tpu.memory_space<vmem>>, vector<128x128xf32>
    %dot_general3A_45 = arith.constant dense<0.000000e+00> : vector<1000x128xf32>
    %dot_general3A_46 = tpu.matmul %max3A_35, %get3A_44, %dot_general3A_45 {dimension_numbers = #tpu.dot_dimension_numbers<[1], [0], [0], [1], [0, 0, 1, 1], [], []>, transpose_lhs_hint = false} : vector<1000x128xf32>, vector<128x128xf32>, vector<1000x128xf32> -> vector<1000x128xf32>
    %get3A_47 = arith.constant 0 : index
    %get3A_48 = arith.constant 0 : index
    %get3A_49 = vector.load %arg6[%get3A_47, %get3A_48] : memref<1x128xf32, #tpu.memory_space<vmem>>, vector<1x128xf32>
    %add3A_50 = vector.broadcast %get3A_49 : vector<1x128xf32> to vector<1000x128xf32>
    %add3A_51 = arith.addf %dot_general3A_46, %add3A_50 : vector<1000x128xf32>
    %swap3A_52 = arith.constant 0 : index
    %swap3A_53 = arith.constant 0 : index
    %swap3A_54 = vector.load %arg8[%swap3A_52, %swap3A_53] : memref<1000x128xf32, #tpu.memory_space<vmem>>, vector<1000x128xf32>
    tpu.vector_store %arg8[%swap3A_52, %swap3A_53], %add3A_51 {strides = array<i32>} : memref<1000x128xf32, #tpu.memory_space<vmem>>, vector<1000x128xf32>,
    return
  }
  func.func @transform_0(%arg0: i32) -> (i32, i32) {
    %c0_i32 = arith.constant 0 : i32
    %c0_i32_0 = arith.constant 0 : i32
    return %arg0, %c0_i32 : i32, i32
  }
  func.func @transform_1(%arg0: i32) -> (i32, i32, i32) {
    %c0_i32 = arith.constant 0 : i32
    %c0_i32_0 = arith.constant 0 : i32
    %c0_i32_1 = arith.constant 0 : i32
    return %c0_i32, %arg0, %c0_i32_0 : i32, i32, i32
  }
  func.func @transform_2(%arg0: i32) -> (i32, i32, i32) {
    %c0_i32 = arith.constant 0 : i32
    %c0_i32_0 = arith.constant 0 : i32
    %c0_i32_1 = arith.constant 0 : i32
    return %c0_i32, %arg0, %c0_i32_0 : i32, i32, i32
  }
  func.func @transform_3(%arg0: i32) -> (i32, i32) {
    %c0_i32 = arith.constant 0 : i32
    %c0_i32_0 = arith.constant 0 : i32
    %c0_i32_1 = arith.constant 0 : i32
    return %c0_i32, %c0_i32_0 : i32, i32
  }
  func.func @transform_4(%arg0: i32) -> (i32, i32) {
    %c0_i32 = arith.constant 0 : i32
    %c0_i32_0 = arith.constant 0 : i32
    %c0_i32_1 = arith.constant 0 : i32
    return %c0_i32, %c0_i32_0 : i32, i32
  }
  func.func @transform_5(%arg0: i32) -> (i32, i32) {
    %c0_i32 = arith.constant 0 : i32
    %c0_i32_0 = arith.constant 0 : i32
    %c0_i32_1 = arith.constant 0 : i32
    return %c0_i32, %c0_i32_0 : i32, i32
  }
  func.func @transform_6(%arg0: i32) -> (i32, i32) {
    %c0_i32 = arith.constant 0 : i32
    %c0_i32_0 = arith.constant 0 : i32
    return %arg0, %c0_i32 : i32, i32
  }
  func.func @transform_7(%arg0: i32) -> (i32, i32) {
    %c0_i32 = arith.constant 0 : i32
    %c0_i32_0 = arith.constant 0 : i32
    return %arg0, %c0_i32 : i32, i32
  }
}

module attributes {stable_mosaic.version = 14 : i64} {
  func.func @body(%arg0: i32, %arg1: memref<1000x128xf32, #tpu.memory_space<vmem>>, %arg2: memref<2x1000x128xf32, #tpu.memory_space<vmem>>, %arg3: memref<2x1000x128xf32, #tpu.memory_space<vmem>>, %arg4: memref<1000x128xf32, #tpu.memory_space<vmem>>) attributes {dimension_semantics = [#tpu.dimension_semantics<arbitrary>], iteration_bounds = array<i64: 10>, scalar_prefetch = 0 : i64, scratch_operands = 0 : i64, tpu.core_type = #tpu.core_type<tc>, window_params = [{transform_indices = @transform_0, window_bounds = array<i64: 1000, 128>}, {transform_indices = @transform_1, window_bounds = array<i64: 2, 1000, 128>}, {transform_indices = @transform_2, window_bounds = array<i64: 2, 1000, 128>}, {transform_indices = @transform_3, window_bounds = array<i64: 1000, 128>}]} {
    %get3A = arith.constant 0 : index
    %get3A_0 = arith.constant 0 : index
    %get3A_1 = arith.constant 0 : index
    %get3A_2 = vector.load %arg2[%get3A, %get3A_0, %get3A_1] : memref<2x1000x128xf32, #tpu.memory_space<vmem>>, vector<1x1000x128xf32>
    %get3A_3 = vector.shape_cast %get3A_2 : vector<1x1000x128xf32> to vector<1000x128xf32>
    %get3A_4 = arith.constant 1 : index
    %get3A_5 = arith.constant 0 : index
    %get3A_6 = arith.constant 0 : index
    %get3A_7 = vector.load %arg2[%get3A_4, %get3A_5, %get3A_6] : memref<2x1000x128xf32, #tpu.memory_space<vmem>>, vector<1x1000x128xf32>
    %get3A_8 = vector.shape_cast %get3A_7 : vector<1x1000x128xf32> to vector<1000x128xf32>
    %add3A = arith.addf %get3A_3, %get3A_8 : vector<1000x128xf32>
    %get3A_9 = arith.constant 0 : index
    %get3A_10 = arith.constant 0 : index
    %get3A_11 = arith.constant 0 : index
    %get3A_12 = vector.load %arg3[%get3A_9, %get3A_10, %get3A_11] : memref<2x1000x128xf32, #tpu.memory_space<vmem>>, vector<1x1000x128xf32>
    %get3A_13 = vector.shape_cast %get3A_12 : vector<1x1000x128xf32> to vector<1000x128xf32>
    %get3A_14 = arith.constant 1 : index
    %get3A_15 = arith.constant 0 : index
    %get3A_16 = arith.constant 0 : index
    %get3A_17 = vector.load %arg3[%get3A_14, %get3A_15, %get3A_16] : memref<2x1000x128xf32, #tpu.memory_space<vmem>>, vector<1x1000x128xf32>
    %get3A_18 = vector.shape_cast %get3A_17 : vector<1x1000x128xf32> to vector<1000x128xf32>
    %add3A_19 = arith.addf %get3A_13, %get3A_18 : vector<1000x128xf32>
    %slice3A = vector.extract_strided_slice %add3A_19 {offsets = [0, 0], sizes = [1000, 1], strides = [1, 1]} : vector<1000x128xf32> to vector<1000x1xf32>
    %max3A = arith.constant 1.000000e+00 : f32
    %max3A_20 = vector.broadcast %max3A : f32 to vector<1000x1xf32>
    %max3A_21 = arith.maximumf %slice3A, %max3A_20 : vector<1000x1xf32>
    %div3A = vector.broadcast %max3A_21 : vector<1000x1xf32> to vector<1000x128xf32>
    %div3A_22 = arith.divf %add3A, %div3A : vector<1000x128xf32>
    %get3A_23 = arith.constant 0 : index
    %get3A_24 = arith.constant 0 : index
    %get3A_25 = vector.load %arg1[%get3A_23, %get3A_24] : memref<1000x128xf32, #tpu.memory_space<vmem>>, vector<1000x128xf32>
    %add3A_26 = arith.addf %div3A_22, %get3A_25 : vector<1000x128xf32>
    %mul3A = arith.mulf %add3A_26, %add3A_26 : vector<1000x128xf32>
    %reduce_sum3A = arith.constant dense<0.000000e+00> : vector<1000xf32>
    %reduce_sum3A_27 = vector.multi_reduction <add>, %mul3A, %reduce_sum3A [1] : vector<1000x128xf32> to vector<1000xf32>
    %broadcast_in_dim3A = vector.shape_cast %reduce_sum3A_27 : vector<1000xf32> to vector<1000x1xf32>
    %sqrt3A = math.sqrt %broadcast_in_dim3A : vector<1000x1xf32>
    %max3A_28 = arith.constant 9.99999996E-13 : f32
    %max3A_29 = vector.broadcast %max3A_28 : f32 to vector<1000x1xf32>
    %max3A_30 = arith.maximumf %sqrt3A, %max3A_29 : vector<1000x1xf32>
    %div3A_31 = vector.broadcast %max3A_30 : vector<1000x1xf32> to vector<1000x128xf32>
    %div3A_32 = arith.divf %add3A_26, %div3A_31 : vector<1000x128xf32>
    %swap3A = arith.constant 0 : index
    %swap3A_33 = arith.constant 0 : index
    %swap3A_34 = vector.load %arg4[%swap3A, %swap3A_33] : memref<1000x128xf32, #tpu.memory_space<vmem>>, vector<1000x128xf32>
    tpu.vector_store %arg4[%swap3A, %swap3A_33], %div3A_32 {strides = array<i32>} : memref<1000x128xf32, #tpu.memory_space<vmem>>, vector<1000x128xf32>,
    return
  }
  func.func @transform_0(%arg0: i32) -> (i32, i32) {
    %c0_i32 = arith.constant 0 : i32
    %c0_i32_0 = arith.constant 0 : i32
    return %arg0, %c0_i32 : i32, i32
  }
  func.func @transform_1(%arg0: i32) -> (i32, i32, i32) {
    %c0_i32 = arith.constant 0 : i32
    %c0_i32_0 = arith.constant 0 : i32
    %c0_i32_1 = arith.constant 0 : i32
    return %c0_i32, %arg0, %c0_i32_0 : i32, i32, i32
  }
  func.func @transform_2(%arg0: i32) -> (i32, i32, i32) {
    %c0_i32 = arith.constant 0 : i32
    %c0_i32_0 = arith.constant 0 : i32
    %c0_i32_1 = arith.constant 0 : i32
    return %c0_i32, %arg0, %c0_i32_0 : i32, i32, i32
  }
  func.func @transform_3(%arg0: i32) -> (i32, i32) {
    %c0_i32 = arith.constant 0 : i32
    %c0_i32_0 = arith.constant 0 : i32
    return %arg0, %c0_i32 : i32, i32
  }
}

</mosaic_0001>

<sc_bundles>
// kernel: kernel.11.cloned.1.call-start
scs
__scs_entry_jumppad:
0x0: {  	(pc) =	sbr.rel $0x88, $3  }
0x1: {  	(tag) =	ssettag $0x0;
	lr =	simm.s32 $0x1  }
0x2: {  	[smem:$0x3F99] =	sst lr;
	_ =	strace $0xD0000000  }
0x3: {  	_ = 	snop  }
0x4: {  	_ = 	snop  }
0x5: {  	_ = 	snop  }
0x6: {  	_ = 	snop  }
0x7: {  	_ = 	snop  }
__scs_overlays_trampoline_lowered:
0x8: {  	[smem:$0x3FA8] =	sst s0  }
0x9: {  	[smem:$0x3FA9] =	sst s1  }
0xa: {  	[smem:$0x3FAA] =	sst s2  }
0xb: {  	[smem:$0x3FAB] =	sst s3  }
0xc: {  	[smem:$0x3FAC] =	sst s4  }
0xd: {  	[smem:$0x3FAD] =	sst s5  }
0xe: {  	[smem:$0x3FAE] =	sst s6  }
0xf: {  	[smem:$0x3FAF] =	sst s7  }
0x10: {  	[smem:$0x3FB0] =	sst s8  }
0x11: {  	[smem:$0x3FB1] =	sst s9;
	s0 =	simm.s32 @!p0 $0x0  }
0x12: {  	s1 =	sld [smem:$0x3F97];
	s0 =	simm.s32 @p0 $0x1  }
0x13: {  	[smem:$0x3FB2] =	sst s0;
	s0 =	simm.s32 @!p1 $0x0  }
0x14: {  	s2 =	sld [smem:$0x3F96];
	s0 =	simm.s32 @p1 $0x1  }
0x15: {  	[smem:$0x3FB3] =	sst s0;
	s0 =	simm.s32 @!p2 $0x0  }
0x16: {  	s3 =	sld [smem:$0x3FDB];
	s0 =	simm.s32 @p2 $0x1  }
0x17: {  	s4 =	simm.s32 $0x1BF5;
	[smem:$0x3FB5] =	sst s0  }
0x18: {  	s0 =	sld [smem:$0x3F98];
	_ =	swait.ge [sflag:s4], $0x0  }
0x19: {  	s7 =	sld [smem:$0x3F99]  }
0x1a: {  	s8 =	sadd.s32 $0xFFFFE003, lr  }
0x1b: {  	s9 =	sadd.s32 $0xFFFFFEF7, lr;
	s5 =	simm.s32 $0xFFFFFFFF;
	p2 =	slt.u32 s8, $0xFFFFF086  }
0x1c: {  	p1 =	slt.u32 s9, $0xF7A;
	s5 =	simm.s32 @!p2 $0x0  }
0x1d: {  	s5 =	simm.s32 @p1 $0x1;
	p0 =	seq.s32 s7, s2  }
0x1e: {  	s7 =	smul.u32 @!p0 $0xF7A, s2;
	p2 =	seq.s32 @!p0 s5, $0x0  }
0x1f: {  	s9 =	smul.u32 $0xF7A, s1;
	s8 =	simm.s32 @!p0 $0x1BF5;
	p2 =	por !p2, p0  }
0x20: {  	[sflag:s8] =	ssyncset.s32 @!p0 $0xFFFFF086;
	s6 =	sadd.s32 @!p0 s3, s7;
	s7 =	simm.s32 @!p0 $0x108  }
0x21: {  	s3 =	sadd.s32 s3, s9;
	s6 =	sadd.s32 @!p0 $0x88, s6;
	s7 =	simm.s32 @p2 $0x1082  }
0x22: {  	[simem:s7], [sflag:s8] =	dma.local @!p0 [hbm:s6], $0xF7A  }
0x23: {  	s9 =	sor.u32 $0xD0000000, s2;
	s6 =	simm.s32 $0x108;
	_ =	swait.ge @!p0 [sflag:s8], $0x0  }
0x24: {  	s3 =	sadd.s32 $0x88, s3;
	s6 =	simm.s32 @!p1 $0x1082;
	[sflag:s4] =	ssyncset.s32 $0xFFFFF086  }
0x25: {  	[simem:s6], [sflag:s4] =	dma.local [hbm:s3], $0xF7A  }
0x26: {  	[smem:$0x3F99] =	sst s1;
	(tag) =	ssettag s2;
	_ =	strace s9  }
0x27: {  	s1 =	sld [smem:$0x3FA9]  }
0x28: {  	s2 =	sld [smem:$0x3FAA]  }
0x29: {  	s4 =	sld [smem:$0x3FAC]  }
0x2a: {  	p0 =	seq.s32 s5, $0x0;
	s5 =	sld [smem:$0x3FAD]  }
0x2b: {  	s6 =	sld [smem:$0x3FAE]  }
0x2c: {  	s7 =	sld [smem:$0x3FAF]  }
0x2d: {  	s3 =	simm.s32 $0x108;
	s8 =	sld [smem:$0x3FB0]  }
0x2e: {  	s3 =	simm.s32 @!p0 $0x1082;
	s9 =	sld [smem:$0x3FB1]  }
0x2f: {  	lr =	sadd.s32 s0, s3;
	s0 =	sld [smem:$0x3FA8]  }
0x30: {  	s3 =	sld [smem:$0x3FAB]  }
0x31: {  	[smem:$0x3FB4] =	sst s10  }
0x32: {  	s10 =	sld [smem:$0x3FB2];
	_ =	sdelay $0x3  }
0x33: {  	p0 =	seq.s32 s10, $0x1;
	s10 =	sld [smem:$0x3FB4];
	_ =	sdelay $0x3  }
0x34: {  	[smem:$0x3FB4] =	sst s10  }
0x35: {  	s10 =	sld [smem:$0x3FB3];
	_ =	sdelay $0x3  }
0x36: {  	p1 =	seq.s32 s10, $0x1;
	s10 =	sld [smem:$0x3FB4];
	_ =	sdelay $0x3  }
0x37: {  	[smem:$0x3FB4] =	sst s10  }
0x38: {  	s10 =	sld [smem:$0x3FB5]  }
0x39: {  	_ = 	snop;
	(pc) =	sbr.ind lr, $3  }
0x3a: {  	_ = 	snop  }
0x3b: {  	_ = 	snop  }
0x3c: {  	p2 =	seq.s32 s10, $0x1;
	s10 =	sld [smem:$0x3FB4]  }
0x3d: {  	_ =	shalt  }
0x3e: {  	_ =	shalt  }
0x3f: {  	_ =	shalt  }
0x40: {  	_ =	shalt  }
0x41: {  	_ =	shalt  }
0x42: {  	_ =	shalt  }
0x43: {  	_ =	shalt  }
0x44: {  	_ =	shalt  }
0x45: {  	_ =	shalt  }
0x46: {  	_ =	shalt  }
0x47: {  	_ =	shalt  }
0x48: {  	_ =	shalt  }
0x49: {  	_ =	shalt  }
0x4a: {  	_ =	shalt  }
0x4b: {  	_ =	shalt  }
0x4c: {  	_ =	shalt  }
0x4d: {  	_ =	shalt  }
0x4e: {  	_ =	shalt  }
0x4f: {  	_ =	shalt  }
0x50: {  	_ =	shalt  }
0x51: {  	_ =	shalt  }
0x52: {  	_ =	shalt  }
0x53: {  	_ =	shalt  }
0x54: {  	_ =	shalt  }
0x55: {  	_ =	shalt  }
0x56: {  	_ =	shalt  }
0x57: {  	_ =	shalt  }
0x58: {  	_ =	shalt  }
0x59: {  	_ =	shalt  }
0x5a: {  	_ =	shalt  }
0x5b: {  	_ =	shalt  }
0x5c: {  	_ =	shalt  }
0x5d: {  	_ =	shalt  }
0x5e: {  	_ =	shalt  }
0x5f: {  	_ =	shalt  }
0x60: {  	_ =	shalt  }
0x61: {  	_ =	shalt  }
0x62: {  	_ =	shalt  }
0x63: {  	_ =	shalt  }
0x64: {  	_ =	shalt  }
0x65: {  	_ =	shalt  }
0x66: {  	_ =	shalt  }
0x67: {  	_ =	shalt  }
0x68: {  	_ =	shalt  }
0x69: {  	_ =	shalt  }
0x6a: {  	_ =	shalt  }
0x6b: {  	_ =	shalt  }
0x6c: {  	_ =	shalt  }
0x6d: {  	_ =	shalt  }
0x6e: {  	_ =	shalt  }
0x6f: {  	_ =	shalt  }
0x70: {  	_ =	shalt  }
0x71: {  	_ =	shalt  }
0x72: {  	_ =	shalt  }
0x73: {  	_ =	shalt  }
0x74: {  	_ =	shalt  }
0x75: {  	_ =	shalt  }
0x76: {  	_ =	shalt  }
0x77: {  	_ =	shalt  }
0x78: {  	_ =	shalt  }
0x79: {  	_ =	shalt  }
0x7a: {  	_ =	shalt  }
0x7b: {  	_ =	shalt  }
0x7c: {  	_ =	shalt  }
0x7d: {  	_ =	shalt  }
0x7e: {  	_ =	shalt  }
0x7f: {  	_ =	shalt  }
0x80: {  	_ =	shalt  }
0x81: {  	_ =	shalt  }
0x82: {  	_ =	shalt  }
0x83: {  	_ =	shalt  }
0x84: {  	_ =	shalt  }
0x85: {  	_ =	shalt  }
0x86: {  	_ =	shalt  }
0x87: {  	_ =	shalt  }
.Lfunc_end0:
.L_simem_size_0:
called_computation.1_lowered:
.L_overlay_start_0:
0x88: {  	s2 =	sld [smem:$0x3FD9]  }
0x89: {  	s3 =	sld [smem:$0x3FFE];
	_ =	sdelay $0x1  }
0x8a: {  	s1 =	srdreg.scid  }
0x8b: {  	s0 =	sand.u32 $0x1, s1  }
0x8c: {  	s17 =	sshll.u32 s0, $0xA;
	s2 =	sadd.s32 s3, s2  }
0x8d: {  	s2 =	sadd.s32 s2, s17  }
0x8e: {  	[smem:$0x3FC0] =	sst s2  }
0x8f: {  	_ = 	snop  }
0x90: {  	(tm) =	ssettm $0x1  }
0x91: {  	s18 =	sld [smem:$0x3FFB];
	_ =	sdelay $0x3  }
0x92: {  	_ =	strace s18  }
0x93: {  	s2 =	sld [smem:$0x3FFC];
	_ =	sdelay $0x3  }
0x94: {  	_ =	strace s2  }
0x95: {  	s2 =	sld [smem:$0x3FFD];
	_ =	sdelay $0x3  }
0x96: {  	_ =	strace s2  }
0x97: {  	_ =	strace $0x8FFFFFFF  }
0x98: {  	s19 =	sld [smem:$0x3FDB];
	_ =	sdelay $0x1  }
0x99: {  	s20 =	simm.s32 $_scs_section_size  }
0x9a: {  	s4 =	simm.s32 $_size__tile_overlayer_lowered;
	s5 =	simm.s32 $_tile_overlayer_lowered  }
0x9b: {  	s6 =	simm.s32 $0x1BFF;
	s21 =	sshll.u32 s5, $0x1;
	s3 =	sadd.s32 s20, s19  }
0x9c: {  	s22 =	simm.s32 $0x0;
	s4 =	sshll.u32 s4, $0x1;
	s5 =	sadd.s32 s21, s3  }
0x9d: {  	[timem:s22], [sflag:s6] =	dma.local [hbm:s5], s4  }
0x9e: {  	_ =	swait.ge [sflag:s6], s4  }
0x9f: {  	s4 =	ssub.s32 $0x0, s4;
	[sflag:s6] =	ssyncset.done $0x0  }
0xa0: {  	[sflag:s6] =	ssyncadd.s32 s4;
	_ =	sdelay $0x1  }
0xa1: {  	s23 =	simm.s32 $0x1B8B  }
0xa2: {  	_ =	swait.ge [sflag:s23], $0x1  }
0xa3: {  	[sflag:s23] =	ssyncset.done $0x0  }
0xa4: {  	[sflag:s23] =	ssyncadd.s32 $0xFFFFFFFF  }
0xa5: {  	s4 =	sld [smem:$0x0]  }
0xa6: {  	s5 =	sand.u32 $0xFFFFFFFE, s1  }
0xa7: {  	p0 =	sne.s32 s1, s5  }
0xa8: {  	s5 =	sshll.u32 @p0 s5, $0xE  }
0xa9: {  	s5 =	sadd.s32 @p0 $0x11B8D, s5;
	s6 =	sshll.u32 @p0 s4, $0x11  }
0xaa: {  	s5 =	sor.u32 @p0 s6, s5  }
0xab: {  	[sflag:s5] =	ssyncadd.remote.s32 @p0 $0x1;
	_ =	sdelay $0x1  }
0xac: {  	s5 =	simm.s32 @p0 $0x1B8D  }
0xad: {  	_ =	swait.eq @p0 [sflag:s5], $0x1  }
0xae: {  	[sflag:s5] =	ssyncadd.s32 @p0 $0xFFFFFFFF  }
0xaf: {  	s6 =	sshll.u32 @!p0 s1, $0xE  }
0xb0: {  	s6 =	sor.u32 @!p0 $0x4000, s6;
	s5 =	simm.s32 @!p0 $0x1B8D  }
0xb1: {  	s4 =	sshll.u32 @!p0 s4, $0x11;
	s6 =	sadd.s32 @!p0 $0x11B8D, s6;
	_ =	swait.eq @!p0 [sflag:s5], $0x1  }
0xb2: {  	s4 =	sor.u32 @!p0 s4, s6;
	[sflag:s5] =	ssyncadd.s32 @!p0 $0xFFFFFFFF  }
0xb3: {  	s25 =	simm.s32 $0x1B8E;
	s24 =	sld [smem:$0x3FFE];
	[sflag:s4] =	ssyncadd.remote.s32 @!p0 $0x1  }
0xb4: {  	s26 =	simm.s32 $execute0_lowered;
	[smem:$0x3FD2] =	sst s25  }
0xb5: {  	s5 =	sshll.u32 s26, $0x1;
	_ =	strace $0x80000049;
	[dreg:$0x1] =	wrdreg $0xFFFFFFFF  }
0xb6: {  	s28 =	simm.s32 $_size_execute0_lowered;
	s3 =	sadd.s32 s3, s5;
	[dreg:$0x0] =	wrdreg $0x0  }
0xb7: {  	s5 =	sshll.u32 s28, $0x1;
	[dreg:$0x2] =	wrdreg s3  }
0xb8: {  	[dreg:$0x3] =	wrdreg s5  }
0xb9: {  	[dreg:$0x4] =	wrdreg $0xC0  }
0xba: {  	_ =	task [dreg:s22], $0x5FFFF  }
0xbb: {  	[dreg:$0x1] =	wrdreg $0xFFFFFFFF  }
0xbc: {  	[dreg:$0x0] =	wrdreg $0x60  }
0xbd: {  	[dreg:$0x2] =	wrdreg s24  }
0xbe: {  	[dreg:$0x3] =	wrdreg $0x0  }
0xbf: {  	[dreg:$0x4] =	wrdreg $0xA  }
0xc0: {  	_ =	task.clear_ibuf [dreg:s22], $0x5FFFF;
	_ =	strace $0x90000049  }
0xc1: {  	s29 =	simm.s32 $0xA;
	_ =	strace $0x8000004B  }
0xc2: {  	_ =	swait.ge [sflag:s29], $0x1  }
0xc3: {  	[sflag:s29] =	ssyncadd.s32 $0xFFFFFFFF  }
0xc4: {  	_ =	strace $0x9000004B  }
0xc5: {  	_ =	sfence  }
0xc6: {  	s30 =	sld [smem:$0x0];
	_ =	sdelay $0x2  }
0xc7: {  	s31 =	sshll.u32 s1, $0xD;
	s1 =	sshrl.u32 s1, $0x2  }
0xc8: {  	s4 =	sand.u32 $0x4000, s31;
	s1 =	sadd.s32 s1, s30  }
0xc9: {  	s0 =	sor.u32 s4, s0;
	s1 =	sshll.u32 s1, $0x11  }
0xca: {  	s0 =	sor.u32 s1, s0  }
0xcb: {  	s0 =	sadd.s32 $0x8F2B, s0  }
0xcc: {  	[sflag:s0] =	ssyncadd.remote.s32 $0x1  }
0xcd: {  	_ =	sfence.sel $0xFFFF  }
0xce: {  	[dreg:$0x0] =	wrdreg $0xFFFFFFFF;
	(pc) =	sbr.abs _section_cstart, $3  }
0xcf: {  	[dreg:$0x1] =	wrdreg $0xFFFFFFFF  }
0xd0: {  	_ =	task.clear_ibuf [dreg:s22], $0x2FFFF;
	_ =	strace $0x9FFFFFFF  }
0xd1: {  	(tm) =	ssettm $0x7FFFFFFF  }
tec
execute0_lowered:
.L_overlay_start_1:
0x0: {  	(tag) =	ssettag $0x1  }
0x1: {  	s0 =	srdreg.scid;
	s6 =	rddreg [dreg:$0x0]  }
0x2: {  	s2 =	rddreg [dreg:$0x1];
	s1 =	stileid.u32  }
0x3: {  	s3 =	simm.s32 $0x0;
	s20 =	simm.s32 $0x14000;
	s21 =	simm.s32 $0x80  }
0x4: {  	s22 =	simm.s32 $0x1;
	s8 =	sand.u32 $0x1, s0;
	s0 =	rddreg [dreg:$0x2]  }
0x5: {  	s23 =	simm.s32 $0x0;
	[smem:$0x7FF] =	sst s3;
	s7 =	smul.u32 $0x50000, s1  }
0x6: {  	s12 =	smul.u32 $0x14000, s1;
	s5 =	sadd.s32 $0x70200, s6;
	s16 =	sadd.s32 $0x70A00, s6  }
0x7: {  	s4 =	sshll.u32 s8, $0x4;
	_ =	strace $0x8000004A;
	s31 =	ssub.s32 $0x2, s8  }
0x8: {  	s18 =	smul.u32 $0x140000, s8;
	s4 =	sor.u32 s1, s4;
	s9 =	sshrl.u32 s31, $0x1  }
0x9: {  	s7 =	sshrl.u32 s7, $0x2;
	s13 =	sadd.s32 $0x4000, s12;
	s14 =	sadd.s32 $0x8000, s12  }
0xa: {  	s15 =	sadd.s32 $0xC000, s12;
	s19 =	sadd.s32 $0x10000, s12;
	s4 =	smul.u32 $0x500, s4  }
0xb: {  	s17 =	ssub.s32 s31, s9;
	s8 =	sadd.s32 s14, s2;
	s9 =	sadd.s32 s15, s2  }
0xc: {  	s10 =	sadd.s32 s19, s2;
	s12 =	sadd.s32 s12, s18;
	s14 =	sadd.s32 s18, s14  }
0xd: {  	s15 =	sadd.s32 s18, s15;
	s12 =	sshrl.u32 s12, $0x3;
	s14 =	sshrl.u32 s14, $0x3  }
0xe: {  	s15 =	sshrl.u32 s15, $0x3;
	s17 =	smax.u32 s17, $0x1;
	s11 =	sadd.s32 s4, s6  }
0xf: {  	s4 =	sadd.s32 $0x15A00, s6;
	s6 =	sadd.s32 s7, s2;
	s7 =	sadd.s32 s13, s2  }
0x10: {  	s13 =	sadd.s32 s18, s13;
	s12 =	sadd.s32 s16, s12;
	s18 =	sadd.s32 s18, s19  }
0x11: {  	s14 =	sadd.s32 s16, s14;
	s15 =	sadd.s32 s16, s15;
	s19 =	simm.s32 $0x2  }
0x12: {  	s11 =	sadd.s32 $0x66200, s11;
	s13 =	sshrl.u32 s13, $0x3;
	s18 =	sshrl.u32 s18, $0x3  }
0x13: {  	s13 =	sadd.s32 s16, s13;
	s16 =	sadd.s32 s16, s18;
	s18 =	simm.s32 $0x16800  }
.LBB2_1:
0x14: {  	[tilespmem:s18], [sflag:$0x2] =	stream.linear.gather [hbm4b:s4+s3], $0x4000, $0x38;
	[tilespmem:$0x1A800] =	vst v63  }
0x15: {  	_ =	swait.ge [sflag:s19], $0x4000  }
0x16: {  	[sflag:s19] =	ssyncset.done $0x0  }
0x17: {  	[sflag:s19] =	ssyncadd.s32 $0xFFFFC000  }
0x18: {  	[spmem:s6] =	stream.linear.scatter [tilespmem:s18], [sflag:$0x2], $0x4000, $0x38;
	[tilespmem:$0x1A800] =	vst v63  }
0x19: {  	_ =	swait.ge [sflag:s19], $0x4000  }
0x1a: {  	[sflag:s19] =	ssyncset.done $0x0  }
0x1b: {  	[sflag:s19] =	ssyncadd.s32 $0xFFFFC000  }
0x1c: {  	[spmem:s7] =	stream.linear.scatter [tilespmem:s18], [sflag:$0x2], $0x4000, $0x38;
	[tilespmem:$0x1A800] =	vst v63  }
0x1d: {  	_ =	swait.ge [sflag:s19], $0x4000  }
0x1e: {  	[sflag:s19] =	ssyncset.done $0x0  }
0x1f: {  	[sflag:s19] =	ssyncadd.s32 $0xFFFFC000  }
0x20: {  	[spmem:s8] =	stream.linear.scatter [tilespmem:s18], [sflag:$0x2], $0x4000, $0x38;
	[tilespmem:$0x1A800] =	vst v63  }
0x21: {  	_ =	swait.ge [sflag:s19], $0x4000  }
0x22: {  	[sflag:s19] =	ssyncset.done $0x0  }
0x23: {  	[sflag:s19] =	ssyncadd.s32 $0xFFFFC000  }
0x24: {  	[spmem:s9] =	stream.linear.scatter [tilespmem:s18], [sflag:$0x2], $0x4000, $0x38;
	[tilespmem:$0x1A800] =	vst v63  }
0x25: {  	_ =	swait.ge [sflag:s19], $0x4000  }
0x26: {  	[sflag:s19] =	ssyncset.done $0x0  }
0x27: {  	[sflag:s19] =	ssyncadd.s32 $0xFFFFC000  }
0x28: {  	[spmem:s10] =	stream.linear.scatter [tilespmem:s18], [sflag:$0x2], $0x4000, $0x38;
	[tilespmem:$0x1A800] =	vst v63  }
0x29: {  	_ =	swait.ge [sflag:s19], $0x4000  }
0x2a: {  	[sflag:s19] =	ssyncset.done $0x0  }
0x2b: {  	[sflag:s19] =	ssyncadd.s32 $0xFFFFC000  }
0x2c: {  	[bflag:$0x0] =	sbarrier.arrive $0xFFFF  }
0x2d: {  	[tilespmem:s18], [sflag:$0x2] =	stream.linear.gather [hbm4b:s5+s3], $0x4000, $0x38;
	[tilespmem:$0x1A800] =	vst v63  }
0x2e: {  	_ =	swait.ge [sflag:s19], $0x4000  }
0x2f: {  	[sflag:s19] =	ssyncset.done $0x0  }
0x30: {  	[sflag:s19] =	ssyncadd.s32 $0xFFFFC000  }
0x31: {  	[tilespmem:s20], [sflag:$0x2] =	stream.linear.gather [hbm4b:s11+s3], $0x2780, $0x38;
	[tilespmem:$0x1A800] =	vst v63  }
0x32: {  	_ =	swait.ge [sflag:s19], $0x2780  }
0x33: {  	[sflag:s19] =	ssyncset.done $0x0  }
0x34: {  	s24 =	simm.s32 $0x14000;
	[sflag:s19] =	ssyncadd.s32 $0xFFFFD880  }
0x35: {  	[spmem:s2] =	stream.indirect.scatter.add.f32 [tilespmem:s18], [sflag:$0x1], $0x80, s24, s21, $0xb8;
	[tilespmem:$0x1A800] =	vst v63  }
0x36: {  	s24 =	simm.s32 $0x200;
	_ =	swait.ge [sflag:s22], $0x4000  }
.LBB2_2:
0x37: {  	s25 =	sshra.s32 s24, $0x2;
	[sflag:s22] =	ssyncset.done $0x0;
	p0 =	sne.s32 s24, $0x9C00  }
.Ltmp0:
0x38: {  	s25 =	sadd.s32 $0x14000, s25;
	[sflag:s22] =	ssyncadd.s32 $0xFFFFC000;
	(pc) =	sbr.rel @p0 .LBB2_2-.Ltmp0, $3  }
0x39: {  	[spmem:s2] =	stream.indirect.scatter.add.f32 [tilespmem:s18], [sflag:$0x1], $0x80, s25, s21, $0xb8;
	[tilespmem:$0x1A800] =	vst v63  }
0x3a: {  	s24 =	sadd.s32 $0x200, s24;
	_ =	sdelay $0x1  }
0x3b: {  	_ =	swait.ge [sflag:s22], $0x4000  }
0x3c: {  	[sflag:s22] =	ssyncset.done $0x0  }
0x3d: {  	[sflag:s22] =	ssyncadd.s32 $0xFFFFC000  }
0x3e: {  	[bflag:$0x0] =	sbarrier.arrive $0xFFFF  }
0x3f: {  	[tilespmem:s18], [sflag:$0x2] =	stream.linear.gather [spmem:s6], $0x4000, $0x38;
	[tilespmem:$0x1A800] =	vst v63  }
0x40: {  	_ =	swait.ge [sflag:s19], $0x4000  }
0x41: {  	[sflag:s19] =	ssyncset.done $0x0  }
0x42: {  	[sflag:s19] =	ssyncadd.s32 $0xFFFFC000  }
0x43: {  	[hbm4b:s12+s3] =	stream.linear.scatter [tilespmem:s18], [sflag:$0x2], $0x4000, $0x38;
	[tilespmem:$0x1A800] =	vst v63  }
0x44: {  	_ =	swait.ge [sflag:s19], $0x4000  }
0x45: {  	[sflag:s19] =	ssyncset.done $0x0  }
0x46: {  	[sflag:s19] =	ssyncadd.s32 $0xFFFFC000  }
0x47: {  	[tilespmem:s18], [sflag:$0x2] =	stream.linear.gather [spmem:s7], $0x4000, $0x38;
	[tilespmem:$0x1A800] =	vst v63  }
0x48: {  	_ =	swait.ge [sflag:s19], $0x4000  }
0x49: {  	[sflag:s19] =	ssyncset.done $0x0  }
0x4a: {  	[sflag:s19] =	ssyncadd.s32 $0xFFFFC000  }
0x4b: {  	[hbm4b:s13+s3] =	stream.linear.scatter [tilespmem:s18], [sflag:$0x2], $0x4000, $0x38;
	[tilespmem:$0x1A800] =	vst v63  }
0x4c: {  	_ =	swait.ge [sflag:s19], $0x4000  }
0x4d: {  	[sflag:s19] =	ssyncset.done $0x0  }
0x4e: {  	[sflag:s19] =	ssyncadd.s32 $0xFFFFC000  }
0x4f: {  	[tilespmem:s18], [sflag:$0x2] =	stream.linear.gather [spmem:s8], $0x4000, $0x38;
	[tilespmem:$0x1A800] =	vst v63  }
0x50: {  	_ =	swait.ge [sflag:s19], $0x4000  }
0x51: {  	[sflag:s19] =	ssyncset.done $0x0  }
0x52: {  	[sflag:s19] =	ssyncadd.s32 $0xFFFFC000  }
0x53: {  	[hbm4b:s14+s3] =	stream.linear.scatter [tilespmem:s18], [sflag:$0x2], $0x4000, $0x38;
	[tilespmem:$0x1A800] =	vst v63  }
0x54: {  	_ =	swait.ge [sflag:s19], $0x4000  }
0x55: {  	[sflag:s19] =	ssyncset.done $0x0  }
0x56: {  	[sflag:s19] =	ssyncadd.s32 $0xFFFFC000  }
0x57: {  	[tilespmem:s18], [sflag:$0x2] =	stream.linear.gather [spmem:s9], $0x4000, $0x38;
	[tilespmem:$0x1A800] =	vst v63  }
0x58: {  	_ =	swait.ge [sflag:s19], $0x4000  }
0x59: {  	[sflag:s19] =	ssyncset.done $0x0  }
0x5a: {  	[sflag:s19] =	ssyncadd.s32 $0xFFFFC000  }
0x5b: {  	[hbm4b:s15+s3] =	stream.linear.scatter [tilespmem:s18], [sflag:$0x2], $0x4000, $0x38;
	[tilespmem:$0x1A800] =	vst v63  }
0x5c: {  	_ =	swait.ge [sflag:s19], $0x4000  }
0x5d: {  	[sflag:s19] =	ssyncset.done $0x0  }
0x5e: {  	[sflag:s19] =	ssyncadd.s32 $0xFFFFC000  }
0x5f: {  	[tilespmem:s18], [sflag:$0x2] =	stream.linear.gather [spmem:s10], $0x4000, $0x38;
	[tilespmem:$0x1A800] =	vst v63  }
0x60: {  	s23 =	sadd.s32 $0x1, s23;
	_ =	swait.ge [sflag:s19], $0x4000  }
0x61: {  	p0 =	sne.s32 s23, s17;
	[sflag:s19] =	ssyncset.done $0x0  }
.Ltmp1:
0x62: {  	[sflag:s19] =	ssyncadd.s32 $0xFFFFC000;
	(pc) =	sbr.rel @p0 .LBB2_1-.Ltmp1, $4  }
0x63: {  	[hbm4b:s16+s3] =	stream.linear.scatter [tilespmem:s18], [sflag:$0x2], $0x4000, $0x38;
	[tilespmem:$0x1A800] =	vst v63  }
0x64: {  	_ =	swait.ge [sflag:s19], $0x4000  }
0x65: {  	[sflag:s19] =	ssyncset.done $0x0  }
0x66: {  	[sflag:s19] =	ssyncadd.s32 $0xFFFFC000  }
0x67: {  	_ =	sfence.sel $0x180000  }
0x68: {  	[bflag:$0x0] =	sbarrier.arrive $0xFFFF  }
0x69: {  	p0 =	sne.s32 s1, $0x0;
	_ =	strace $0x9000004A  }
0x6a: {  	s0 =	sadd.s32 @!p0 $0x100000, s0;
	[bflag:$0x2] =	sbarrier.arrive $0xFFFF  }
0x6b: {  	[sflag:s0] =	ssyncadd.tile.s32 @!p0 $0x1;
	_ =	shalt  }
.Lfunc_end2:
_tile_overlayer_lowered:
.L_overlay_start_2:
0x6c: {  	(tag) =	ssettag $0x2  }
0x6d: {  	s0 =	rddreg [dreg:$0x0];
	s2 =	stileid.u32  }
0x6e: {  	s1 =	rddreg [dreg:$0x1];
	p0 =	sne.s32 s2, $0x0  }
0x6f: {  	s3 =	rddreg [dreg:$0x2];
	[bflag:$0x3] =	sbarrier.arrive $0xFFFF;
	s2 =	simm.s32 @!p0 $0x1C02  }
0x70: {  	[timem:s3], [sflag:s2] =	dma.local @!p0 [hbm:s0], s1  }
0x71: {  	s0 =	simm.s32 @!p0 $0x2  }
0x72: {  	_ =	swait.ge @!p0 [sflag:s0], s1  }
0x73: {  	s1 =	ssub.s32 @!p0 $0x0, s1;
	[sflag:s0] =	ssyncset.done @!p0 $0x0  }
0x74: {  	[sflag:s0] =	ssyncadd.s32 @!p0 s1  }
0x75: {  	[bflag:$0x3] =	sbarrier.arrive $0xFFFF  }
0x76: {  	_ =	shalt  }

// kernel: kernel.14.cloned.1.call-start
scs
__scs_entry_jumppad:
0x0: {  	(pc) =	sbr.rel $0x88, $3  }
0x1: {  	(tag) =	ssettag $0x0;
	lr =	simm.s32 $0x1  }
0x2: {  	[smem:$0x3F99] =	sst lr;
	_ =	strace $0xD0000000  }
0x3: {  	_ = 	snop  }
0x4: {  	_ = 	snop  }
0x5: {  	_ = 	snop  }
0x6: {  	_ = 	snop  }
0x7: {  	_ = 	snop  }
__scs_overlays_trampoline_lowered:
0x8: {  	[smem:$0x3FA8] =	sst s0  }
0x9: {  	[smem:$0x3FA9] =	sst s1  }
0xa: {  	[smem:$0x3FAA] =	sst s2  }
0xb: {  	[smem:$0x3FAB] =	sst s3  }
0xc: {  	[smem:$0x3FAC] =	sst s4  }
0xd: {  	[smem:$0x3FAD] =	sst s5  }
0xe: {  	[smem:$0x3FAE] =	sst s6  }
0xf: {  	[smem:$0x3FAF] =	sst s7  }
0x10: {  	[smem:$0x3FB0] =	sst s8  }
0x11: {  	[smem:$0x3FB1] =	sst s9;
	s0 =	simm.s32 @!p0 $0x0  }
0x12: {  	s1 =	sld [smem:$0x3F97];
	s0 =	simm.s32 @p0 $0x1  }
0x13: {  	[smem:$0x3FB2] =	sst s0;
	s0 =	simm.s32 @!p1 $0x0  }
0x14: {  	s2 =	sld [smem:$0x3F96];
	s0 =	simm.s32 @p1 $0x1  }
0x15: {  	[smem:$0x3FB3] =	sst s0;
	s0 =	simm.s32 @!p2 $0x0  }
0x16: {  	s3 =	sld [smem:$0x3FDB];
	s0 =	simm.s32 @p2 $0x1  }
0x17: {  	s4 =	simm.s32 $0x1BF5;
	[smem:$0x3FB5] =	sst s0  }
0x18: {  	s0 =	sld [smem:$0x3F98];
	_ =	swait.ge [sflag:s4], $0x0  }
0x19: {  	s7 =	sld [smem:$0x3F99]  }
0x1a: {  	s8 =	sadd.s32 $0xFFFFE003, lr  }
0x1b: {  	s9 =	sadd.s32 $0xFFFFFEF7, lr;
	s5 =	simm.s32 $0xFFFFFFFF;
	p2 =	slt.u32 s8, $0xFFFFF086  }
0x1c: {  	p1 =	slt.u32 s9, $0xF7A;
	s5 =	simm.s32 @!p2 $0x0  }
0x1d: {  	s5 =	simm.s32 @p1 $0x1;
	p0 =	seq.s32 s7, s2  }
0x1e: {  	s7 =	smul.u32 @!p0 $0xF7A, s2;
	p2 =	seq.s32 @!p0 s5, $0x0  }
0x1f: {  	s9 =	smul.u32 $0xF7A, s1;
	s8 =	simm.s32 @!p0 $0x1BF5;
	p2 =	por !p2, p0  }
0x20: {  	[sflag:s8] =	ssyncset.s32 @!p0 $0xFFFFF086;
	s6 =	sadd.s32 @!p0 s3, s7;
	s7 =	simm.s32 @!p0 $0x108  }
0x21: {  	s3 =	sadd.s32 s3, s9;
	s6 =	sadd.s32 @!p0 $0x88, s6;
	s7 =	simm.s32 @p2 $0x1082  }
0x22: {  	[simem:s7], [sflag:s8] =	dma.local @!p0 [hbm:s6], $0xF7A  }
0x23: {  	s9 =	sor.u32 $0xD0000000, s2;
	s6 =	simm.s32 $0x108;
	_ =	swait.ge @!p0 [sflag:s8], $0x0  }
0x24: {  	s3 =	sadd.s32 $0x88, s3;
	s6 =	simm.s32 @!p1 $0x1082;
	[sflag:s4] =	ssyncset.s32 $0xFFFFF086  }
0x25: {  	[simem:s6], [sflag:s4] =	dma.local [hbm:s3], $0xF7A  }
0x26: {  	[smem:$0x3F99] =	sst s1;
	(tag) =	ssettag s2;
	_ =	strace s9  }
0x27: {  	s1 =	sld [smem:$0x3FA9]  }
0x28: {  	s2 =	sld [smem:$0x3FAA]  }
0x29: {  	s4 =	sld [smem:$0x3FAC]  }
0x2a: {  	p0 =	seq.s32 s5, $0x0;
	s5 =	sld [smem:$0x3FAD]  }
0x2b: {  	s6 =	sld [smem:$0x3FAE]  }
0x2c: {  	s7 =	sld [smem:$0x3FAF]  }
0x2d: {  	s3 =	simm.s32 $0x108;
	s8 =	sld [smem:$0x3FB0]  }
0x2e: {  	s3 =	simm.s32 @!p0 $0x1082;
	s9 =	sld [smem:$0x3FB1]  }
0x2f: {  	lr =	sadd.s32 s0, s3;
	s0 =	sld [smem:$0x3FA8]  }
0x30: {  	s3 =	sld [smem:$0x3FAB]  }
0x31: {  	[smem:$0x3FB4] =	sst s10  }
0x32: {  	s10 =	sld [smem:$0x3FB2];
	_ =	sdelay $0x3  }
0x33: {  	p0 =	seq.s32 s10, $0x1;
	s10 =	sld [smem:$0x3FB4];
	_ =	sdelay $0x3  }
0x34: {  	[smem:$0x3FB4] =	sst s10  }
0x35: {  	s10 =	sld [smem:$0x3FB3];
	_ =	sdelay $0x3  }
0x36: {  	p1 =	seq.s32 s10, $0x1;
	s10 =	sld [smem:$0x3FB4];
	_ =	sdelay $0x3  }
0x37: {  	[smem:$0x3FB4] =	sst s10  }
0x38: {  	s10 =	sld [smem:$0x3FB5]  }
0x39: {  	_ = 	snop;
	(pc) =	sbr.ind lr, $3  }
0x3a: {  	_ = 	snop  }
0x3b: {  	_ = 	snop  }
0x3c: {  	p2 =	seq.s32 s10, $0x1;
	s10 =	sld [smem:$0x3FB4]  }
0x3d: {  	_ =	shalt  }
0x3e: {  	_ =	shalt  }
0x3f: {  	_ =	shalt  }
0x40: {  	_ =	shalt  }
0x41: {  	_ =	shalt  }
0x42: {  	_ =	shalt  }
0x43: {  	_ =	shalt  }
0x44: {  	_ =	shalt  }
0x45: {  	_ =	shalt  }
0x46: {  	_ =	shalt  }
0x47: {  	_ =	shalt  }
0x48: {  	_ =	shalt  }
0x49: {  	_ =	shalt  }
0x4a: {  	_ =	shalt  }
0x4b: {  	_ =	shalt  }
0x4c: {  	_ =	shalt  }
0x4d: {  	_ =	shalt  }
0x4e: {  	_ =	shalt  }
0x4f: {  	_ =	shalt  }
0x50: {  	_ =	shalt  }
0x51: {  	_ =	shalt  }
0x52: {  	_ =	shalt  }
0x53: {  	_ =	shalt  }
0x54: {  	_ =	shalt  }
0x55: {  	_ =	shalt  }
0x56: {  	_ =	shalt  }
0x57: {  	_ =	shalt  }
0x58: {  	_ =	shalt  }
0x59: {  	_ =	shalt  }
0x5a: {  	_ =	shalt  }
0x5b: {  	_ =	shalt  }
0x5c: {  	_ =	shalt  }
0x5d: {  	_ =	shalt  }
0x5e: {  	_ =	shalt  }
0x5f: {  	_ =	shalt  }
0x60: {  	_ =	shalt  }
0x61: {  	_ =	shalt  }
0x62: {  	_ =	shalt  }
0x63: {  	_ =	shalt  }
0x64: {  	_ =	shalt  }
0x65: {  	_ =	shalt  }
0x66: {  	_ =	shalt  }
0x67: {  	_ =	shalt  }
0x68: {  	_ =	shalt  }
0x69: {  	_ =	shalt  }
0x6a: {  	_ =	shalt  }
0x6b: {  	_ =	shalt  }
0x6c: {  	_ =	shalt  }
0x6d: {  	_ =	shalt  }
0x6e: {  	_ =	shalt  }
0x6f: {  	_ =	shalt  }
0x70: {  	_ =	shalt  }
0x71: {  	_ =	shalt  }
0x72: {  	_ =	shalt  }
0x73: {  	_ =	shalt  }
0x74: {  	_ =	shalt  }
0x75: {  	_ =	shalt  }
0x76: {  	_ =	shalt  }
0x77: {  	_ =	shalt  }
0x78: {  	_ =	shalt  }
0x79: {  	_ =	shalt  }
0x7a: {  	_ =	shalt  }
0x7b: {  	_ =	shalt  }
0x7c: {  	_ =	shalt  }
0x7d: {  	_ =	shalt  }
0x7e: {  	_ =	shalt  }
0x7f: {  	_ =	shalt  }
0x80: {  	_ =	shalt  }
0x81: {  	_ =	shalt  }
0x82: {  	_ =	shalt  }
0x83: {  	_ =	shalt  }
0x84: {  	_ =	shalt  }
0x85: {  	_ =	shalt  }
0x86: {  	_ =	shalt  }
0x87: {  	_ =	shalt  }
.Lfunc_end0:
.L_simem_size_0:
called_computation.2_lowered:
.L_overlay_start_0:
0x88: {  	s2 =	sld [smem:$0x3FD9]  }
0x89: {  	s3 =	sld [smem:$0x3FFE];
	_ =	sdelay $0x1  }
0x8a: {  	s1 =	srdreg.scid  }
0x8b: {  	s0 =	sand.u32 $0x1, s1  }
0x8c: {  	s17 =	sshll.u32 s0, $0xA;
	s2 =	sadd.s32 s3, s2  }
0x8d: {  	s2 =	sadd.s32 s2, s17  }
0x8e: {  	[smem:$0x3FC0] =	sst s2  }
0x8f: {  	_ = 	snop  }
0x90: {  	s2 =	sld [smem:$0x3FD0];
	(tm) =	ssettm $0x1  }
0x91: {  	s18 =	sld [smem:$0x3FFB];
	_ =	sdelay $0x3  }
0x92: {  	_ =	strace s18  }
0x93: {  	s3 =	sld [smem:$0x3FFC];
	_ =	sdelay $0x3  }
0x94: {  	_ =	strace s3  }
0x95: {  	s3 =	sld [smem:$0x3FFD];
	_ =	sdelay $0x3  }
0x96: {  	_ =	strace s3  }
0x97: {  	_ =	strace $0x8FFFFFFF  }
0x98: {  	s19 =	sld [smem:$0x3FDB];
	_ =	sdelay $0x1  }
0x99: {  	s4 =	simm.s32 $_scs_section_size  }
0x9a: {  	s5 =	simm.s32 $_size__tile_overlayer_lowered;
	s6 =	simm.s32 $_tile_overlayer_lowered  }
0x9b: {  	s22 =	simm.s32 $0x1BFF;
	s21 =	sshll.u32 s6, $0x1;
	s3 =	sadd.s32 s4, s19  }
0x9c: {  	s7 =	simm.s32 $0x0;
	s20 =	sshll.u32 s5, $0x1;
	s5 =	sadd.s32 s21, s3  }
0x9d: {  	[timem:s7], [sflag:s22] =	dma.local [hbm:s5], s20  }
0x9e: {  	_ =	swait.ge [sflag:s22], s20  }
0x9f: {  	s4 =	ssub.s32 $0x0, s20;
	[sflag:s22] =	ssyncset.done $0x0  }
0xa0: {  	[sflag:s22] =	ssyncadd.s32 s4;
	_ =	sdelay $0x1  }
0xa1: {  	s23 =	simm.s32 $0x1B8B  }
0xa2: {  	_ =	swait.ge [sflag:s23], $0x1  }
0xa3: {  	[sflag:s23] =	ssyncset.done $0x0  }
0xa4: {  	s25 =	simm.s32 $0x1B8E;
	s24 =	sld [smem:$0x3FFE];
	[sflag:s23] =	ssyncadd.s32 $0xFFFFFFFF  }
0xa5: {  	s26 =	simm.s32 $execute0_lowered;
	[smem:$0x3FD2] =	sst s25  }
0xa6: {  	s5 =	sshll.u32 s26, $0x1;
	_ =	strace $0x8000004C;
	[dreg:$0x1] =	wrdreg $0xFFFFFFFF  }
0xa7: {  	s28 =	simm.s32 $_size_execute0_lowered;
	s3 =	sadd.s32 s3, s5;
	[dreg:$0x0] =	wrdreg $0x0  }
0xa8: {  	s5 =	sshll.u32 s28, $0x1;
	[dreg:$0x2] =	wrdreg s3  }
0xa9: {  	[dreg:$0x3] =	wrdreg s5  }
0xaa: {  	[dreg:$0x4] =	wrdreg $0xC0  }
0xab: {  	_ =	task [dreg:s7], $0x5FFFF  }
0xac: {  	[dreg:$0x1] =	wrdreg $0xFFFFFFFF  }
0xad: {  	[dreg:$0x0] =	wrdreg $0x60  }
0xae: {  	[dreg:$0x2] =	wrdreg s2  }
0xaf: {  	[dreg:$0x3] =	wrdreg s24  }
0xb0: {  	[dreg:$0x4] =	wrdreg $0x0  }
0xb1: {  	[dreg:$0x5] =	wrdreg $0x9  }
0xb2: {  	_ =	task.clear_ibuf [dreg:s7], $0x6FFFF;
	_ =	strace $0x9000004C  }
0xb3: {  	s29 =	simm.s32 $0x9;
	_ =	strace $0x8000004E  }
0xb4: {  	_ =	swait.ge [sflag:s29], $0x1  }
0xb5: {  	[sflag:s29] =	ssyncadd.s32 $0xFFFFFFFF  }
0xb6: {  	_ =	strace $0x9000004E  }
0xb7: {  	_ =	sfence  }
0xb8: {  	s30 =	sld [smem:$0x0];
	_ =	sdelay $0x2  }
0xb9: {  	s31 =	sshll.u32 s1, $0xD;
	s1 =	sshrl.u32 s1, $0x2  }
0xba: {  	s3 =	sand.u32 $0x4000, s31;
	s1 =	sadd.s32 s1, s30  }
0xbb: {  	s0 =	sor.u32 s3, s0;
	s1 =	sshll.u32 s1, $0x11  }
0xbc: {  	s0 =	sor.u32 s1, s0  }
0xbd: {  	s0 =	sadd.s32 $0x8F2B, s0  }
0xbe: {  	[sflag:s0] =	ssyncadd.remote.s32 $0x1  }
0xbf: {  	_ =	sfence.sel $0xFFFF  }
0xc0: {  	[dreg:$0x0] =	wrdreg $0xFFFFFFFF;
	(pc) =	sbr.abs _section_cstart, $3  }
0xc1: {  	[dreg:$0x1] =	wrdreg $0xFFFFFFFF  }
0xc2: {  	_ =	task.clear_ibuf [dreg:s7], $0x2FFFF;
	_ =	strace $0x9FFFFFFF  }
0xc3: {  	(tm) =	ssettm $0x7FFFFFFF  }
tec
execute0_lowered:
.L_overlay_start_1:
0x0: {  	(tag) =	ssettag $0x1  }
0x1: {  	s1 =	rddreg [dreg:$0x0]  }
0x2: {  	s6 =	rddreg [dreg:$0x1]  }
0x3: {  	s0 =	srdreg.scid;
	s3 =	rddreg [dreg:$0x2];
	s4 =	simm.s32 $0x0  }
0x4: {  	s21 =	simm.s32 $0x80;
	s22 =	simm.s32 $0x1;
	s23 =	simm.s32 $0x2  }
0x5: {  	s24 =	simm.s32 $0x0;
	s8 =	sand.u32 $0x1, s0;
	s0 =	stileid.u32  }
0x6: {  	[smem:$0x7FF] =	sst s4;
	s16 =	sadd.s32 $0x16200, s6;
	s10 =	smul.u32 $0x50000, s0  }
0x7: {  	s2 =	sshll.u32 s8, $0x4;
	s9 =	ssub.s32 $0x2, s8;
	s11 =	smul.u32 $0x14000, s0  }
0x8: {  	s14 =	smul.u32 $0x140000, s8;
	s5 =	sor.u32 s0, s2;
	s2 =	rddreg [dreg:$0x3]  }
0x9: {  	_ =	strace $0x8000004D;
	s28 =	sshrl.u32 s9, $0x1;
	s5 =	smul.u32 $0x9E0, s5  }
0xa: {  	s17 =	ssub.s32 s9, s28;
	s29 =	sshrl.u32 s10, $0x2;
	s12 =	sadd.s32 $0x4000, s11  }
0xb: {  	s15 =	sadd.s32 $0x8000, s11;
	s18 =	sadd.s32 $0xC000, s11;
	s13 =	sadd.s32 s11, s14  }
0xc: {  	s19 =	sadd.s32 $0x10000, s11;
	s8 =	sadd.s32 s12, s3;
	s9 =	sadd.s32 s15, s3  }
0xd: {  	s10 =	sadd.s32 s18, s3;
	s13 =	sshrl.u32 s13, $0x3;
	s20 =	sadd.s32 s14, s12  }
0xe: {  	s11 =	sadd.s32 s19, s3;
	s15 =	sadd.s32 s14, s15;
	s18 =	sadd.s32 s14, s18  }
0xf: {  	s19 =	sadd.s32 s14, s19;
	s17 =	smax.u32 s17, $0x1;
	s7 =	sadd.s32 s5, s6  }
0x10: {  	s5 =	sadd.s32 $0x15A00, s6;
	s12 =	sadd.s32 s16, s13;
	s30 =	sshrl.u32 s20, $0x3  }
0x11: {  	s15 =	sshrl.u32 s15, $0x3;
	s18 =	sshrl.u32 s18, $0x3;
	s31 =	sshrl.u32 s19, $0x3  }
0x12: {  	s19 =	simm.s32 $0x3;
	s20 =	simm.s32 $0x18F00;
	s6 =	sadd.s32 $0x1E00, s7  }
0x13: {  	s7 =	sadd.s32 s29, s3;
	s13 =	sadd.s32 s16, s30;
	s14 =	sadd.s32 s16, s15  }
0x14: {  	s15 =	sadd.s32 s16, s18;
	s16 =	sadd.s32 s16, s31;
	s18 =	simm.s32 $0x14000  }
.LBB2_1:
0x15: {  	[tilespmem:s18], [sflag:$0x3] =	stream.linear.gather [hbm4b:s6+s4], $0x4F00, $0x38;
	[tilespmem:$0x1CF00] =	vst v63  }
0x16: {  	_ =	swait.ge [sflag:s19], $0x4F00  }
0x17: {  	[sflag:s19] =	ssyncset.done $0x0  }
0x18: {  	[sflag:s19] =	ssyncadd.s32 $0xFFFFB100  }
0x19: {  	[tilespmem:s20], [sflag:$0x3] =	stream.linear.gather [hbm4b:s5+s4], $0x4000, $0x38;
	[tilespmem:$0x1CF00] =	vst v63  }
0x1a: {  	_ =	swait.ge [sflag:s19], $0x4000  }
0x1b: {  	[sflag:s19] =	ssyncset.done $0x0  }
0x1c: {  	[sflag:s19] =	ssyncadd.s32 $0xFFFFC000  }
0x1d: {  	[spmem:s7] =	stream.linear.scatter [tilespmem:s20], [sflag:$0x3], $0x4000, $0x38;
	[tilespmem:$0x1CF00] =	vst v63  }
0x1e: {  	_ =	swait.ge [sflag:s19], $0x4000  }
0x1f: {  	[sflag:s19] =	ssyncset.done $0x0  }
0x20: {  	[sflag:s19] =	ssyncadd.s32 $0xFFFFC000  }
0x21: {  	[spmem:s8] =	stream.linear.scatter [tilespmem:s20], [sflag:$0x3], $0x4000, $0x38;
	[tilespmem:$0x1CF00] =	vst v63  }
0x22: {  	_ =	swait.ge [sflag:s19], $0x4000  }
0x23: {  	[sflag:s19] =	ssyncset.done $0x0  }
0x24: {  	[sflag:s19] =	ssyncadd.s32 $0xFFFFC000  }
0x25: {  	[spmem:s9] =	stream.linear.scatter [tilespmem:s20], [sflag:$0x3], $0x4000, $0x38;
	[tilespmem:$0x1CF00] =	vst v63  }
0x26: {  	_ =	swait.ge [sflag:s19], $0x4000  }
0x27: {  	[sflag:s19] =	ssyncset.done $0x0  }
0x28: {  	[sflag:s19] =	ssyncadd.s32 $0xFFFFC000  }
0x29: {  	[spmem:s10] =	stream.linear.scatter [tilespmem:s20], [sflag:$0x3], $0x4000, $0x38;
	[tilespmem:$0x1CF00] =	vst v63  }
0x2a: {  	_ =	swait.ge [sflag:s19], $0x4000  }
0x2b: {  	[sflag:s19] =	ssyncset.done $0x0  }
0x2c: {  	[sflag:s19] =	ssyncadd.s32 $0xFFFFC000  }
0x2d: {  	[spmem:s11] =	stream.linear.scatter [tilespmem:s20], [sflag:$0x3], $0x4000, $0x38;
	[tilespmem:$0x1CF00] =	vst v63  }
0x2e: {  	_ =	swait.ge [sflag:s19], $0x4000  }
0x2f: {  	[sflag:s19] =	ssyncset.done $0x0  }
0x30: {  	[sflag:s19] =	ssyncadd.s32 $0xFFFFC000  }
0x31: {  	s25 =	simm.s32 $0x14000;
	[bflag:$0x0] =	sbarrier.arrive $0xFFFF  }
0x32: {  	[tilespmem:s20], [sflag:$0x1] =	stream.indirect.gather [hbm4b:s1+s21], $0x80, s25, s21, $0xb8;
	[tilespmem:$0x1CF00] =	vst v63  }
0x33: {  	_ =	swait.ge [sflag:s22], $0x4000  }
0x34: {  	[sflag:s22] =	ssyncset.done $0x0  }
0x35: {  	s31 =	simm.s32 $0x14080;
	[sflag:s22] =	ssyncadd.s32 $0xFFFFC000  }
0x36: {  	[spmem:s3] =	stream.indirect.scatter.add.f32 [tilespmem:s20], [sflag:$0x2], $0x80, s31, s21, $0xb8;
	[tilespmem:$0x1CF00] =	vst v63  }
0x37: {  	_ =	swait.ge [sflag:s23], $0x4000  }
0x38: {  	s26 =	simm.s32 $0x800;
	s25 =	simm.s32 $0x100;
	[sflag:s23] =	ssyncset.done $0x0  }
.LBB2_2:
0x39: {  	s28 =	sadd.s32 $0x14000, s25  }
0x3a: {  	[sflag:s23] =	ssyncadd.s32 $0xFFFFC000;
	s29 =	smov.u32 s26;
	s30 =	sadd.s32 $0x400, s26  }
0x3b: {  	[tilespmem:s20], [sflag:$0x1] =	stream.indirect.gather [hbm4b:s1+s21], $0x80, s28, s21, $0xb8;
	[tilespmem:$0x1CF00] =	vst v63  }
0x3c: {  	p0 =	sne.s32 s26, $0x13800;
	_ =	swait.ge [sflag:s22], $0x4000  }
.Ltmp0:
0x3d: {  	[sflag:s22] =	ssyncset.done $0x0;
	(pc) =	sbr.rel @p0 .LBB2_2-.Ltmp0, $4  }
0x3e: {  	s25 =	sadd.s32 $0x14080, s25;
	[sflag:s22] =	ssyncadd.s32 $0xFFFFC000  }
0x3f: {  	[spmem:s3] =	stream.indirect.scatter.add.f32 [tilespmem:s20], [sflag:$0x2], $0x80, s25, s21, $0xb8;
	[tilespmem:$0x1CF00] =	vst v63  }
0x40: {  	_ =	swait.ge [sflag:s23], $0x4000  }
0x41: {  	s26 =	smov.u32 s30;
	s25 =	sshra.s32 s29, $0x2;
	[sflag:s23] =	ssyncset.done $0x0  }
0x42: {  	s26 =	sadd.s32 $0x14000, s25;
	[sflag:s23] =	ssyncadd.s32 $0xFFFFC000  }
0x43: {  	[tilespmem:s20], [sflag:$0x1] =	stream.indirect.gather [hbm4b:s1+s21], $0x80, s26, s21, $0xb8;
	[tilespmem:$0x1CF00] =	vst v63  }
0x44: {  	_ =	swait.ge [sflag:s22], $0x4000  }
0x45: {  	[sflag:s22] =	ssyncset.done $0x0  }
0x46: {  	s31 =	sadd.s32 $0x14080, s25;
	[sflag:s22] =	ssyncadd.s32 $0xFFFFC000  }
0x47: {  	[spmem:s3] =	stream.indirect.scatter.add.f32 [tilespmem:s20], [sflag:$0x2], $0x80, s31, s21, $0xb8;
	[tilespmem:$0x1CF00] =	vst v63  }
0x48: {  	_ =	swait.ge [sflag:s23], $0x4000  }
0x49: {  	[sflag:s23] =	ssyncset.done $0x0  }
0x4a: {  	[sflag:s23] =	ssyncadd.s32 $0xFFFFC000  }
0x4b: {  	[bflag:$0x0] =	sbarrier.arrive $0xFFFF  }
0x4c: {  	[tilespmem:s20], [sflag:$0x3] =	stream.linear.gather [spmem:s7], $0x4000, $0x38;
	[tilespmem:$0x1CF00] =	vst v63  }
0x4d: {  	_ =	swait.ge [sflag:s19], $0x4000  }
0x4e: {  	[sflag:s19] =	ssyncset.done $0x0  }
0x4f: {  	[sflag:s19] =	ssyncadd.s32 $0xFFFFC000  }
0x50: {  	[hbm4b:s12+s4] =	stream.linear.scatter [tilespmem:s20], [sflag:$0x3], $0x4000, $0x38;
	[tilespmem:$0x1CF00] =	vst v63  }
0x51: {  	_ =	swait.ge [sflag:s19], $0x4000  }
0x52: {  	[sflag:s19] =	ssyncset.done $0x0  }
0x53: {  	[sflag:s19] =	ssyncadd.s32 $0xFFFFC000  }
0x54: {  	[tilespmem:s20], [sflag:$0x3] =	stream.linear.gather [spmem:s8], $0x4000, $0x38;
	[tilespmem:$0x1CF00] =	vst v63  }
0x55: {  	_ =	swait.ge [sflag:s19], $0x4000  }
0x56: {  	[sflag:s19] =	ssyncset.done $0x0  }
0x57: {  	[sflag:s19] =	ssyncadd.s32 $0xFFFFC000  }
0x58: {  	[hbm4b:s13+s4] =	stream.linear.scatter [tilespmem:s20], [sflag:$0x3], $0x4000, $0x38;
	[tilespmem:$0x1CF00] =	vst v63  }
0x59: {  	_ =	swait.ge [sflag:s19], $0x4000  }
0x5a: {  	[sflag:s19] =	ssyncset.done $0x0  }
0x5b: {  	[sflag:s19] =	ssyncadd.s32 $0xFFFFC000  }
0x5c: {  	[tilespmem:s20], [sflag:$0x3] =	stream.linear.gather [spmem:s9], $0x4000, $0x38;
	[tilespmem:$0x1CF00] =	vst v63  }
0x5d: {  	_ =	swait.ge [sflag:s19], $0x4000  }
0x5e: {  	[sflag:s19] =	ssyncset.done $0x0  }
0x5f: {  	[sflag:s19] =	ssyncadd.s32 $0xFFFFC000  }
0x60: {  	[hbm4b:s14+s4] =	stream.linear.scatter [tilespmem:s20], [sflag:$0x3], $0x4000, $0x38;
	[tilespmem:$0x1CF00] =	vst v63  }
0x61: {  	_ =	swait.ge [sflag:s19], $0x4000  }
0x62: {  	[sflag:s19] =	ssyncset.done $0x0  }
0x63: {  	[sflag:s19] =	ssyncadd.s32 $0xFFFFC000  }
0x64: {  	[tilespmem:s20], [sflag:$0x3] =	stream.linear.gather [spmem:s10], $0x4000, $0x38;
	[tilespmem:$0x1CF00] =	vst v63  }
0x65: {  	_ =	swait.ge [sflag:s19], $0x4000  }
0x66: {  	[sflag:s19] =	ssyncset.done $0x0  }
0x67: {  	[sflag:s19] =	ssyncadd.s32 $0xFFFFC000  }
0x68: {  	[hbm4b:s15+s4] =	stream.linear.scatter [tilespmem:s20], [sflag:$0x3], $0x4000, $0x38;
	[tilespmem:$0x1CF00] =	vst v63  }
0x69: {  	_ =	swait.ge [sflag:s19], $0x4000  }
0x6a: {  	[sflag:s19] =	ssyncset.done $0x0  }
0x6b: {  	[sflag:s19] =	ssyncadd.s32 $0xFFFFC000  }
0x6c: {  	[tilespmem:s20], [sflag:$0x3] =	stream.linear.gather [spmem:s11], $0x4000, $0x38;
	[tilespmem:$0x1CF00] =	vst v63  }
0x6d: {  	s24 =	sadd.s32 $0x1, s24;
	_ =	swait.ge [sflag:s19], $0x4000  }
0x6e: {  	p0 =	sne.s32 s24, s17;
	[sflag:s19] =	ssyncset.done $0x0  }
.Ltmp1:
0x6f: {  	[sflag:s19] =	ssyncadd.s32 $0xFFFFC000;
	(pc) =	sbr.rel @p0 .LBB2_1-.Ltmp1, $4  }
0x70: {  	[hbm4b:s16+s4] =	stream.linear.scatter [tilespmem:s20], [sflag:$0x3], $0x4000, $0x38;
	[tilespmem:$0x1CF00] =	vst v63  }
0x71: {  	_ =	swait.ge [sflag:s19], $0x4000  }
0x72: {  	[sflag:s19] =	ssyncset.done $0x0  }
0x73: {  	[sflag:s19] =	ssyncadd.s32 $0xFFFFC000  }
0x74: {  	_ =	sfence.sel $0x180000  }
0x75: {  	[bflag:$0x0] =	sbarrier.arrive $0xFFFF  }
0x76: {  	p0 =	sne.s32 s0, $0x0;
	_ =	strace $0x9000004D  }
0x77: {  	s0 =	sadd.s32 @!p0 $0x100000, s2;
	[bflag:$0x2] =	sbarrier.arrive $0xFFFF  }
0x78: {  	[sflag:s0] =	ssyncadd.tile.s32 @!p0 $0x1;
	_ =	shalt  }
.Lfunc_end2:
_tile_overlayer_lowered:
.L_overlay_start_2:
0x79: {  	(tag) =	ssettag $0x2  }
0x7a: {  	s0 =	rddreg [dreg:$0x0];
	s2 =	stileid.u32  }
0x7b: {  	s1 =	rddreg [dreg:$0x1];
	p0 =	sne.s32 s2, $0x0  }
0x7c: {  	s3 =	rddreg [dreg:$0x2];
	[bflag:$0x3] =	sbarrier.arrive $0xFFFF;
	s2 =	simm.s32 @!p0 $0x1C03  }
0x7d: {  	[timem:s3], [sflag:s2] =	dma.local @!p0 [hbm:s0], s1  }
0x7e: {  	s0 =	simm.s32 @!p0 $0x3  }
0x7f: {  	_ =	swait.ge @!p0 [sflag:s0], s1  }
0x80: {  	s1 =	ssub.s32 @!p0 $0x0, s1;
	[sflag:s0] =	ssyncset.done @!p0 $0x0  }
0x81: {  	[sflag:s0] =	ssyncadd.s32 @!p0 s1  }
0x82: {  	[bflag:$0x3] =	sbarrier.arrive $0xFFFF  }
0x83: {  	_ =	shalt  }

// kernel: kernel.8.cloned.1.call-start
scs
__scs_entry_jumppad:
0x0: {  	(pc) =	sbr.rel $0x88, $3  }
0x1: {  	(tag) =	ssettag $0x0;
	lr =	simm.s32 $0x1  }
0x2: {  	[smem:$0x3F99] =	sst lr;
	_ =	strace $0xD0000000  }
0x3: {  	_ = 	snop  }
0x4: {  	_ = 	snop  }
0x5: {  	_ = 	snop  }
0x6: {  	_ = 	snop  }
0x7: {  	_ = 	snop  }
__scs_overlays_trampoline_lowered:
0x8: {  	[smem:$0x3FA8] =	sst s0  }
0x9: {  	[smem:$0x3FA9] =	sst s1  }
0xa: {  	[smem:$0x3FAA] =	sst s2  }
0xb: {  	[smem:$0x3FAB] =	sst s3  }
0xc: {  	[smem:$0x3FAC] =	sst s4  }
0xd: {  	[smem:$0x3FAD] =	sst s5  }
0xe: {  	[smem:$0x3FAE] =	sst s6  }
0xf: {  	[smem:$0x3FAF] =	sst s7  }
0x10: {  	[smem:$0x3FB0] =	sst s8  }
0x11: {  	[smem:$0x3FB1] =	sst s9;
	s0 =	simm.s32 @!p0 $0x0  }
0x12: {  	s1 =	sld [smem:$0x3F97];
	s0 =	simm.s32 @p0 $0x1  }
0x13: {  	[smem:$0x3FB2] =	sst s0;
	s0 =	simm.s32 @!p1 $0x0  }
0x14: {  	s2 =	sld [smem:$0x3F96];
	s0 =	simm.s32 @p1 $0x1  }
0x15: {  	[smem:$0x3FB3] =	sst s0;
	s0 =	simm.s32 @!p2 $0x0  }
0x16: {  	s3 =	sld [smem:$0x3FDB];
	s0 =	simm.s32 @p2 $0x1  }
0x17: {  	s4 =	simm.s32 $0x1BF5;
	[smem:$0x3FB5] =	sst s0  }
0x18: {  	s0 =	sld [smem:$0x3F98];
	_ =	swait.ge [sflag:s4], $0x0  }
0x19: {  	s7 =	sld [smem:$0x3F99]  }
0x1a: {  	s8 =	sadd.s32 $0xFFFFE003, lr  }
0x1b: {  	s9 =	sadd.s32 $0xFFFFFEF7, lr;
	s5 =	simm.s32 $0xFFFFFFFF;
	p2 =	slt.u32 s8, $0xFFFFF086  }
0x1c: {  	p1 =	slt.u32 s9, $0xF7A;
	s5 =	simm.s32 @!p2 $0x0  }
0x1d: {  	s5 =	simm.s32 @p1 $0x1;
	p0 =	seq.s32 s7, s2  }
0x1e: {  	s7 =	smul.u32 @!p0 $0xF7A, s2;
	p2 =	seq.s32 @!p0 s5, $0x0  }
0x1f: {  	s9 =	smul.u32 $0xF7A, s1;
	s8 =	simm.s32 @!p0 $0x1BF5;
	p2 =	por !p2, p0  }
0x20: {  	[sflag:s8] =	ssyncset.s32 @!p0 $0xFFFFF086;
	s6 =	sadd.s32 @!p0 s3, s7;
	s7 =	simm.s32 @!p0 $0x108  }
0x21: {  	s3 =	sadd.s32 s3, s9;
	s6 =	sadd.s32 @!p0 $0x88, s6;
	s7 =	simm.s32 @p2 $0x1082  }
0x22: {  	[simem:s7], [sflag:s8] =	dma.local @!p0 [hbm:s6], $0xF7A  }
0x23: {  	s9 =	sor.u32 $0xD0000000, s2;
	s6 =	simm.s32 $0x108;
	_ =	swait.ge @!p0 [sflag:s8], $0x0  }
0x24: {  	s3 =	sadd.s32 $0x88, s3;
	s6 =	simm.s32 @!p1 $0x1082;
	[sflag:s4] =	ssyncset.s32 $0xFFFFF086  }
0x25: {  	[simem:s6], [sflag:s4] =	dma.local [hbm:s3], $0xF7A  }
0x26: {  	[smem:$0x3F99] =	sst s1;
	(tag) =	ssettag s2;
	_ =	strace s9  }
0x27: {  	s1 =	sld [smem:$0x3FA9]  }
0x28: {  	s2 =	sld [smem:$0x3FAA]  }
0x29: {  	s4 =	sld [smem:$0x3FAC]  }
0x2a: {  	p0 =	seq.s32 s5, $0x0;
	s5 =	sld [smem:$0x3FAD]  }
0x2b: {  	s6 =	sld [smem:$0x3FAE]  }
0x2c: {  	s7 =	sld [smem:$0x3FAF]  }
0x2d: {  	s3 =	simm.s32 $0x108;
	s8 =	sld [smem:$0x3FB0]  }
0x2e: {  	s3 =	simm.s32 @!p0 $0x1082;
	s9 =	sld [smem:$0x3FB1]  }
0x2f: {  	lr =	sadd.s32 s0, s3;
	s0 =	sld [smem:$0x3FA8]  }
0x30: {  	s3 =	sld [smem:$0x3FAB]  }
0x31: {  	[smem:$0x3FB4] =	sst s10  }
0x32: {  	s10 =	sld [smem:$0x3FB2];
	_ =	sdelay $0x3  }
0x33: {  	p0 =	seq.s32 s10, $0x1;
	s10 =	sld [smem:$0x3FB4];
	_ =	sdelay $0x3  }
0x34: {  	[smem:$0x3FB4] =	sst s10  }
0x35: {  	s10 =	sld [smem:$0x3FB3];
	_ =	sdelay $0x3  }
0x36: {  	p1 =	seq.s32 s10, $0x1;
	s10 =	sld [smem:$0x3FB4];
	_ =	sdelay $0x3  }
0x37: {  	[smem:$0x3FB4] =	sst s10  }
0x38: {  	s10 =	sld [smem:$0x3FB5]  }
0x39: {  	_ = 	snop;
	(pc) =	sbr.ind lr, $3  }
0x3a: {  	_ = 	snop  }
0x3b: {  	_ = 	snop  }
0x3c: {  	p2 =	seq.s32 s10, $0x1;
	s10 =	sld [smem:$0x3FB4]  }
0x3d: {  	_ =	shalt  }
0x3e: {  	_ =	shalt  }
0x3f: {  	_ =	shalt  }
0x40: {  	_ =	shalt  }
0x41: {  	_ =	shalt  }
0x42: {  	_ =	shalt  }
0x43: {  	_ =	shalt  }
0x44: {  	_ =	shalt  }
0x45: {  	_ =	shalt  }
0x46: {  	_ =	shalt  }
0x47: {  	_ =	shalt  }
0x48: {  	_ =	shalt  }
0x49: {  	_ =	shalt  }
0x4a: {  	_ =	shalt  }
0x4b: {  	_ =	shalt  }
0x4c: {  	_ =	shalt  }
0x4d: {  	_ =	shalt  }
0x4e: {  	_ =	shalt  }
0x4f: {  	_ =	shalt  }
0x50: {  	_ =	shalt  }
0x51: {  	_ =	shalt  }
0x52: {  	_ =	shalt  }
0x53: {  	_ =	shalt  }
0x54: {  	_ =	shalt  }
0x55: {  	_ =	shalt  }
0x56: {  	_ =	shalt  }
0x57: {  	_ =	shalt  }
0x58: {  	_ =	shalt  }
0x59: {  	_ =	shalt  }
0x5a: {  	_ =	shalt  }
0x5b: {  	_ =	shalt  }
0x5c: {  	_ =	shalt  }
0x5d: {  	_ =	shalt  }
0x5e: {  	_ =	shalt  }
0x5f: {  	_ =	shalt  }
0x60: {  	_ =	shalt  }
0x61: {  	_ =	shalt  }
0x62: {  	_ =	shalt  }
0x63: {  	_ =	shalt  }
0x64: {  	_ =	shalt  }
0x65: {  	_ =	shalt  }
0x66: {  	_ =	shalt  }
0x67: {  	_ =	shalt  }
0x68: {  	_ =	shalt  }
0x69: {  	_ =	shalt  }
0x6a: {  	_ =	shalt  }
0x6b: {  	_ =	shalt  }
0x6c: {  	_ =	shalt  }
0x6d: {  	_ =	shalt  }
0x6e: {  	_ =	shalt  }
0x6f: {  	_ =	shalt  }
0x70: {  	_ =	shalt  }
0x71: {  	_ =	shalt  }
0x72: {  	_ =	shalt  }
0x73: {  	_ =	shalt  }
0x74: {  	_ =	shalt  }
0x75: {  	_ =	shalt  }
0x76: {  	_ =	shalt  }
0x77: {  	_ =	shalt  }
0x78: {  	_ =	shalt  }
0x79: {  	_ =	shalt  }
0x7a: {  	_ =	shalt  }
0x7b: {  	_ =	shalt  }
0x7c: {  	_ =	shalt  }
0x7d: {  	_ =	shalt  }
0x7e: {  	_ =	shalt  }
0x7f: {  	_ =	shalt  }
0x80: {  	_ =	shalt  }
0x81: {  	_ =	shalt  }
0x82: {  	_ =	shalt  }
0x83: {  	_ =	shalt  }
0x84: {  	_ =	shalt  }
0x85: {  	_ =	shalt  }
0x86: {  	_ =	shalt  }
0x87: {  	_ =	shalt  }
.Lfunc_end0:
.L_simem_size_0:
called_computation_lowered:
.L_overlay_start_0:
0x88: {  	s2 =	sld [smem:$0x3FD9]  }
0x89: {  	s3 =	sld [smem:$0x3FFE];
	_ =	sdelay $0x1  }
0x8a: {  	s1 =	srdreg.scid  }
0x8b: {  	s0 =	sand.u32 $0x1, s1  }
0x8c: {  	s17 =	sshll.u32 s0, $0xA;
	s2 =	sadd.s32 s3, s2  }
0x8d: {  	s2 =	sadd.s32 s2, s17  }
0x8e: {  	[smem:$0x3FC0] =	sst s2  }
0x8f: {  	_ = 	snop  }
0x90: {  	s2 =	sld [smem:$0x3FD0];
	(tm) =	ssettm $0x1  }
0x91: {  	s18 =	sld [smem:$0x3FFB];
	_ =	sdelay $0x3  }
0x92: {  	_ =	strace s18  }
0x93: {  	s3 =	sld [smem:$0x3FFC];
	_ =	sdelay $0x3  }
0x94: {  	_ =	strace s3  }
0x95: {  	s3 =	sld [smem:$0x3FFD];
	_ =	sdelay $0x3  }
0x96: {  	_ =	strace s3  }
0x97: {  	_ =	strace $0x8FFFFFFF  }
0x98: {  	s19 =	sld [smem:$0x3FDB];
	_ =	sdelay $0x1  }
0x99: {  	s4 =	simm.s32 $_scs_section_size  }
0x9a: {  	s5 =	simm.s32 $_size__tile_overlayer_lowered;
	s6 =	simm.s32 $_tile_overlayer_lowered  }
0x9b: {  	s22 =	simm.s32 $0x1BFF;
	s21 =	sshll.u32 s6, $0x1;
	s3 =	sadd.s32 s4, s19  }
0x9c: {  	s7 =	simm.s32 $0x0;
	s20 =	sshll.u32 s5, $0x1;
	s5 =	sadd.s32 s21, s3  }
0x9d: {  	[timem:s7], [sflag:s22] =	dma.local [hbm:s5], s20  }
0x9e: {  	_ =	swait.ge [sflag:s22], s20  }
0x9f: {  	s4 =	ssub.s32 $0x0, s20;
	[sflag:s22] =	ssyncset.done $0x0  }
0xa0: {  	[sflag:s22] =	ssyncadd.s32 s4;
	_ =	sdelay $0x1  }
0xa1: {  	s23 =	simm.s32 $0x1B8B  }
0xa2: {  	_ =	swait.ge [sflag:s23], $0x1  }
0xa3: {  	[sflag:s23] =	ssyncset.done $0x0  }
0xa4: {  	s25 =	simm.s32 $0x1B8E;
	s24 =	sld [smem:$0x3FFE];
	[sflag:s23] =	ssyncadd.s32 $0xFFFFFFFF  }
0xa5: {  	s26 =	simm.s32 $execute0_lowered;
	[smem:$0x3FD2] =	sst s25  }
0xa6: {  	s5 =	sshll.u32 s26, $0x1;
	_ =	strace $0x80000046;
	[dreg:$0x1] =	wrdreg $0xFFFFFFFF  }
0xa7: {  	s28 =	simm.s32 $_size_execute0_lowered;
	s3 =	sadd.s32 s3, s5;
	[dreg:$0x0] =	wrdreg $0x0  }
0xa8: {  	s5 =	sshll.u32 s28, $0x1;
	[dreg:$0x2] =	wrdreg s3  }
0xa9: {  	[dreg:$0x3] =	wrdreg s5  }
0xaa: {  	[dreg:$0x4] =	wrdreg $0xC0  }
0xab: {  	_ =	task [dreg:s7], $0x5FFFF  }
0xac: {  	[dreg:$0x1] =	wrdreg $0xFFFFFFFF  }
0xad: {  	[dreg:$0x0] =	wrdreg $0x60  }
0xae: {  	[dreg:$0x2] =	wrdreg s2  }
0xaf: {  	[dreg:$0x3] =	wrdreg s24  }
0xb0: {  	[dreg:$0x4] =	wrdreg $0x0  }
0xb1: {  	[dreg:$0x5] =	wrdreg $0x9  }
0xb2: {  	_ =	task.clear_ibuf [dreg:s7], $0x6FFFF;
	_ =	strace $0x90000046  }
0xb3: {  	s29 =	simm.s32 $0x9;
	_ =	strace $0x80000048  }
0xb4: {  	_ =	swait.ge [sflag:s29], $0x1  }
0xb5: {  	[sflag:s29] =	ssyncadd.s32 $0xFFFFFFFF  }
0xb6: {  	_ =	strace $0x90000048  }
0xb7: {  	_ =	sfence  }
0xb8: {  	s30 =	sld [smem:$0x0];
	_ =	sdelay $0x2  }
0xb9: {  	s31 =	sshll.u32 s1, $0xD;
	s1 =	sshrl.u32 s1, $0x2  }
0xba: {  	s3 =	sand.u32 $0x4000, s31;
	s1 =	sadd.s32 s1, s30  }
0xbb: {  	s0 =	sor.u32 s3, s0;
	s1 =	sshll.u32 s1, $0x11  }
0xbc: {  	s0 =	sor.u32 s1, s0  }
0xbd: {  	s0 =	sadd.s32 $0x8F2B, s0  }
0xbe: {  	[sflag:s0] =	ssyncadd.remote.s32 $0x1  }
0xbf: {  	_ =	sfence.sel $0xFFFF  }
0xc0: {  	[dreg:$0x0] =	wrdreg $0xFFFFFFFF;
	(pc) =	sbr.abs _section_cstart, $3  }
0xc1: {  	[dreg:$0x1] =	wrdreg $0xFFFFFFFF  }
0xc2: {  	_ =	task.clear_ibuf [dreg:s7], $0x2FFFF;
	_ =	strace $0x9FFFFFFF  }
0xc3: {  	(tm) =	ssettm $0x7FFFFFFF  }
tec
execute0_lowered:
.L_overlay_start_1:
0x0: {  	(tag) =	ssettag $0x1  }
0x1: {  	s1 =	rddreg [dreg:$0x0]  }
0x2: {  	s6 =	rddreg [dreg:$0x1]  }
0x3: {  	s0 =	srdreg.scid;
	s3 =	rddreg [dreg:$0x2];
	s4 =	simm.s32 $0x0  }
0x4: {  	s21 =	simm.s32 $0x80;
	s22 =	simm.s32 $0x1;
	s23 =	simm.s32 $0x2  }
0x5: {  	s24 =	simm.s32 $0x0;
	s8 =	sand.u32 $0x1, s0;
	s0 =	stileid.u32  }
0x6: {  	[smem:$0x7FF] =	sst s4;
	s16 =	sadd.s32 $0x16200, s6;
	s10 =	smul.u32 $0x50000, s0  }
0x7: {  	s2 =	sshll.u32 s8, $0x4;
	s9 =	ssub.s32 $0x2, s8;
	s11 =	smul.u32 $0x14000, s0  }
0x8: {  	s14 =	smul.u32 $0x140000, s8;
	s5 =	sor.u32 s0, s2;
	s2 =	rddreg [dreg:$0x3]  }
0x9: {  	_ =	strace $0x80000047;
	s28 =	sshrl.u32 s9, $0x1;
	s5 =	smul.u32 $0x9E0, s5  }
0xa: {  	s17 =	ssub.s32 s9, s28;
	s29 =	sshrl.u32 s10, $0x2;
	s12 =	sadd.s32 $0x4000, s11  }
0xb: {  	s15 =	sadd.s32 $0x8000, s11;
	s18 =	sadd.s32 $0xC000, s11;
	s13 =	sadd.s32 s11, s14  }
0xc: {  	s19 =	sadd.s32 $0x10000, s11;
	s8 =	sadd.s32 s12, s3;
	s9 =	sadd.s32 s15, s3  }
0xd: {  	s10 =	sadd.s32 s18, s3;
	s13 =	sshrl.u32 s13, $0x3;
	s20 =	sadd.s32 s14, s12  }
0xe: {  	s11 =	sadd.s32 s19, s3;
	s15 =	sadd.s32 s14, s15;
	s18 =	sadd.s32 s14, s18  }
0xf: {  	s19 =	sadd.s32 s14, s19;
	s17 =	smax.u32 s17, $0x1;
	s7 =	sadd.s32 s5, s6  }
0x10: {  	s5 =	sadd.s32 $0x15A00, s6;
	s12 =	sadd.s32 s16, s13;
	s30 =	sshrl.u32 s20, $0x3  }
0x11: {  	s15 =	sshrl.u32 s15, $0x3;
	s18 =	sshrl.u32 s18, $0x3;
	s31 =	sshrl.u32 s19, $0x3  }
0x12: {  	s19 =	simm.s32 $0x3;
	s20 =	simm.s32 $0x18F00;
	s6 =	sadd.s32 $0x1E00, s7  }
0x13: {  	s7 =	sadd.s32 s29, s3;
	s13 =	sadd.s32 s16, s30;
	s14 =	sadd.s32 s16, s15  }
0x14: {  	s15 =	sadd.s32 s16, s18;
	s16 =	sadd.s32 s16, s31;
	s18 =	simm.s32 $0x14000  }
.LBB2_1:
0x15: {  	[tilespmem:s18], [sflag:$0x3] =	stream.linear.gather [hbm4b:s6+s4], $0x4F00, $0x38;
	[tilespmem:$0x1CF00] =	vst v63  }
0x16: {  	_ =	swait.ge [sflag:s19], $0x4F00  }
0x17: {  	[sflag:s19] =	ssyncset.done $0x0  }
0x18: {  	[sflag:s19] =	ssyncadd.s32 $0xFFFFB100  }
0x19: {  	[tilespmem:s20], [sflag:$0x3] =	stream.linear.gather [hbm4b:s5+s4], $0x4000, $0x38;
	[tilespmem:$0x1CF00] =	vst v63  }
0x1a: {  	_ =	swait.ge [sflag:s19], $0x4000  }
0x1b: {  	[sflag:s19] =	ssyncset.done $0x0  }
0x1c: {  	[sflag:s19] =	ssyncadd.s32 $0xFFFFC000  }
0x1d: {  	[spmem:s7] =	stream.linear.scatter [tilespmem:s20], [sflag:$0x3], $0x4000, $0x38;
	[tilespmem:$0x1CF00] =	vst v63  }
0x1e: {  	_ =	swait.ge [sflag:s19], $0x4000  }
0x1f: {  	[sflag:s19] =	ssyncset.done $0x0  }
0x20: {  	[sflag:s19] =	ssyncadd.s32 $0xFFFFC000  }
0x21: {  	[spmem:s8] =	stream.linear.scatter [tilespmem:s20], [sflag:$0x3], $0x4000, $0x38;
	[tilespmem:$0x1CF00] =	vst v63  }
0x22: {  	_ =	swait.ge [sflag:s19], $0x4000  }
0x23: {  	[sflag:s19] =	ssyncset.done $0x0  }
0x24: {  	[sflag:s19] =	ssyncadd.s32 $0xFFFFC000  }
0x25: {  	[spmem:s9] =	stream.linear.scatter [tilespmem:s20], [sflag:$0x3], $0x4000, $0x38;
	[tilespmem:$0x1CF00] =	vst v63  }
0x26: {  	_ =	swait.ge [sflag:s19], $0x4000  }
0x27: {  	[sflag:s19] =	ssyncset.done $0x0  }
0x28: {  	[sflag:s19] =	ssyncadd.s32 $0xFFFFC000  }
0x29: {  	[spmem:s10] =	stream.linear.scatter [tilespmem:s20], [sflag:$0x3], $0x4000, $0x38;
	[tilespmem:$0x1CF00] =	vst v63  }
0x2a: {  	_ =	swait.ge [sflag:s19], $0x4000  }
0x2b: {  	[sflag:s19] =	ssyncset.done $0x0  }
0x2c: {  	[sflag:s19] =	ssyncadd.s32 $0xFFFFC000  }
0x2d: {  	[spmem:s11] =	stream.linear.scatter [tilespmem:s20], [sflag:$0x3], $0x4000, $0x38;
	[tilespmem:$0x1CF00] =	vst v63  }
0x2e: {  	_ =	swait.ge [sflag:s19], $0x4000  }
0x2f: {  	[sflag:s19] =	ssyncset.done $0x0  }
0x30: {  	[sflag:s19] =	ssyncadd.s32 $0xFFFFC000  }
0x31: {  	s25 =	simm.s32 $0x14000;
	[bflag:$0x0] =	sbarrier.arrive $0xFFFF  }
0x32: {  	[tilespmem:s20], [sflag:$0x1] =	stream.indirect.gather [hbm4b:s1+s21], $0x80, s25, s21, $0xb8;
	[tilespmem:$0x1CF00] =	vst v63  }
0x33: {  	_ =	swait.ge [sflag:s22], $0x4000  }
0x34: {  	[sflag:s22] =	ssyncset.done $0x0  }
0x35: {  	s31 =	simm.s32 $0x14080;
	[sflag:s22] =	ssyncadd.s32 $0xFFFFC000  }
0x36: {  	[spmem:s3] =	stream.indirect.scatter.add.f32 [tilespmem:s20], [sflag:$0x2], $0x80, s31, s21, $0xb8;
	[tilespmem:$0x1CF00] =	vst v63  }
0x37: {  	_ =	swait.ge [sflag:s23], $0x4000  }
0x38: {  	s26 =	simm.s32 $0x800;
	s25 =	simm.s32 $0x100;
	[sflag:s23] =	ssyncset.done $0x0  }
.LBB2_2:
0x39: {  	s28 =	sadd.s32 $0x14000, s25  }
0x3a: {  	[sflag:s23] =	ssyncadd.s32 $0xFFFFC000;
	s29 =	smov.u32 s26;
	s30 =	sadd.s32 $0x400, s26  }
0x3b: {  	[tilespmem:s20], [sflag:$0x1] =	stream.indirect.gather [hbm4b:s1+s21], $0x80, s28, s21, $0xb8;
	[tilespmem:$0x1CF00] =	vst v63  }
0x3c: {  	p0 =	sne.s32 s26, $0x13800;
	_ =	swait.ge [sflag:s22], $0x4000  }
.Ltmp0:
0x3d: {  	[sflag:s22] =	ssyncset.done $0x0;
	(pc) =	sbr.rel @p0 .LBB2_2-.Ltmp0, $4  }
0x3e: {  	s25 =	sadd.s32 $0x14080, s25;
	[sflag:s22] =	ssyncadd.s32 $0xFFFFC000  }
0x3f: {  	[spmem:s3] =	stream.indirect.scatter.add.f32 [tilespmem:s20], [sflag:$0x2], $0x80, s25, s21, $0xb8;
	[tilespmem:$0x1CF00] =	vst v63  }
0x40: {  	_ =	swait.ge [sflag:s23], $0x4000  }
0x41: {  	s26 =	smov.u32 s30;
	s25 =	sshra.s32 s29, $0x2;
	[sflag:s23] =	ssyncset.done $0x0  }
0x42: {  	s26 =	sadd.s32 $0x14000, s25;
	[sflag:s23] =	ssyncadd.s32 $0xFFFFC000  }
0x43: {  	[tilespmem:s20], [sflag:$0x1] =	stream.indirect.gather [hbm4b:s1+s21], $0x80, s26, s21, $0xb8;
	[tilespmem:$0x1CF00] =	vst v63  }
0x44: {  	_ =	swait.ge [sflag:s22], $0x4000  }
0x45: {  	[sflag:s22] =	ssyncset.done $0x0  }
0x46: {  	s31 =	sadd.s32 $0x14080, s25;
	[sflag:s22] =	ssyncadd.s32 $0xFFFFC000  }
0x47: {  	[spmem:s3] =	stream.indirect.scatter.add.f32 [tilespmem:s20], [sflag:$0x2], $0x80, s31, s21, $0xb8;
	[tilespmem:$0x1CF00] =	vst v63  }
0x48: {  	_ =	swait.ge [sflag:s23], $0x4000  }
0x49: {  	[sflag:s23] =	ssyncset.done $0x0  }
0x4a: {  	[sflag:s23] =	ssyncadd.s32 $0xFFFFC000  }
0x4b: {  	[bflag:$0x0] =	sbarrier.arrive $0xFFFF  }
0x4c: {  	[tilespmem:s20], [sflag:$0x3] =	stream.linear.gather [spmem:s7], $0x4000, $0x38;
	[tilespmem:$0x1CF00] =	vst v63  }
0x4d: {  	_ =	swait.ge [sflag:s19], $0x4000  }
0x4e: {  	[sflag:s19] =	ssyncset.done $0x0  }
0x4f: {  	[sflag:s19] =	ssyncadd.s32 $0xFFFFC000  }
0x50: {  	[hbm4b:s12+s4] =	stream.linear.scatter [tilespmem:s20], [sflag:$0x3], $0x4000, $0x38;
	[tilespmem:$0x1CF00] =	vst v63  }
0x51: {  	_ =	swait.ge [sflag:s19], $0x4000  }
0x52: {  	[sflag:s19] =	ssyncset.done $0x0  }
0x53: {  	[sflag:s19] =	ssyncadd.s32 $0xFFFFC000  }
0x54: {  	[tilespmem:s20], [sflag:$0x3] =	stream.linear.gather [spmem:s8], $0x4000, $0x38;
	[tilespmem:$0x1CF00] =	vst v63  }
0x55: {  	_ =	swait.ge [sflag:s19], $0x4000  }
0x56: {  	[sflag:s19] =	ssyncset.done $0x0  }
0x57: {  	[sflag:s19] =	ssyncadd.s32 $0xFFFFC000  }
0x58: {  	[hbm4b:s13+s4] =	stream.linear.scatter [tilespmem:s20], [sflag:$0x3], $0x4000, $0x38;
	[tilespmem:$0x1CF00] =	vst v63  }
0x59: {  	_ =	swait.ge [sflag:s19], $0x4000  }
0x5a: {  	[sflag:s19] =	ssyncset.done $0x0  }
0x5b: {  	[sflag:s19] =	ssyncadd.s32 $0xFFFFC000  }
0x5c: {  	[tilespmem:s20], [sflag:$0x3] =	stream.linear.gather [spmem:s9], $0x4000, $0x38;
	[tilespmem:$0x1CF00] =	vst v63  }
0x5d: {  	_ =	swait.ge [sflag:s19], $0x4000  }
0x5e: {  	[sflag:s19] =	ssyncset.done $0x0  }
0x5f: {  	[sflag:s19] =	ssyncadd.s32 $0xFFFFC000  }
0x60: {  	[hbm4b:s14+s4] =	stream.linear.scatter [tilespmem:s20], [sflag:$0x3], $0x4000, $0x38;
	[tilespmem:$0x1CF00] =	vst v63  }
0x61: {  	_ =	swait.ge [sflag:s19], $0x4000  }
0x62: {  	[sflag:s19] =	ssyncset.done $0x0  }
0x63: {  	[sflag:s19] =	ssyncadd.s32 $0xFFFFC000  }
0x64: {  	[tilespmem:s20], [sflag:$0x3] =	stream.linear.gather [spmem:s10], $0x4000, $0x38;
	[tilespmem:$0x1CF00] =	vst v63  }
0x65: {  	_ =	swait.ge [sflag:s19], $0x4000  }
0x66: {  	[sflag:s19] =	ssyncset.done $0x0  }
0x67: {  	[sflag:s19] =	ssyncadd.s32 $0xFFFFC000  }
0x68: {  	[hbm4b:s15+s4] =	stream.linear.scatter [tilespmem:s20], [sflag:$0x3], $0x4000, $0x38;
	[tilespmem:$0x1CF00] =	vst v63  }
0x69: {  	_ =	swait.ge [sflag:s19], $0x4000  }
0x6a: {  	[sflag:s19] =	ssyncset.done $0x0  }
0x6b: {  	[sflag:s19] =	ssyncadd.s32 $0xFFFFC000  }
0x6c: {  	[tilespmem:s20], [sflag:$0x3] =	stream.linear.gather [spmem:s11], $0x4000, $0x38;
	[tilespmem:$0x1CF00] =	vst v63  }
0x6d: {  	s24 =	sadd.s32 $0x1, s24;
	_ =	swait.ge [sflag:s19], $0x4000  }
0x6e: {  	p0 =	sne.s32 s24, s17;
	[sflag:s19] =	ssyncset.done $0x0  }
.Ltmp1:
0x6f: {  	[sflag:s19] =	ssyncadd.s32 $0xFFFFC000;
	(pc) =	sbr.rel @p0 .LBB2_1-.Ltmp1, $4  }
0x70: {  	[hbm4b:s16+s4] =	stream.linear.scatter [tilespmem:s20], [sflag:$0x3], $0x4000, $0x38;
	[tilespmem:$0x1CF00] =	vst v63  }
0x71: {  	_ =	swait.ge [sflag:s19], $0x4000  }
0x72: {  	[sflag:s19] =	ssyncset.done $0x0  }
0x73: {  	[sflag:s19] =	ssyncadd.s32 $0xFFFFC000  }
0x74: {  	_ =	sfence.sel $0x180000  }
0x75: {  	[bflag:$0x0] =	sbarrier.arrive $0xFFFF  }
0x76: {  	p0 =	sne.s32 s0, $0x0;
	_ =	strace $0x90000047  }
0x77: {  	s0 =	sadd.s32 @!p0 $0x100000, s2;
	[bflag:$0x2] =	sbarrier.arrive $0xFFFF  }
0x78: {  	[sflag:s0] =	ssyncadd.tile.s32 @!p0 $0x1;
	_ =	shalt  }
.Lfunc_end2:
_tile_overlayer_lowered:
.L_overlay_start_2:
0x79: {  	(tag) =	ssettag $0x2  }
0x7a: {  	s0 =	rddreg [dreg:$0x0];
	s2 =	stileid.u32  }
0x7b: {  	s1 =	rddreg [dreg:$0x1];
	p0 =	sne.s32 s2, $0x0  }
0x7c: {  	s3 =	rddreg [dreg:$0x2];
	[bflag:$0x3] =	sbarrier.arrive $0xFFFF;
	s2 =	simm.s32 @!p0 $0x1C03  }
0x7d: {  	[timem:s3], [sflag:s2] =	dma.local @!p0 [hbm:s0], s1  }
0x7e: {  	s0 =	simm.s32 @!p0 $0x3  }
0x7f: {  	_ =	swait.ge @!p0 [sflag:s0], s1  }
0x80: {  	s1 =	ssub.s32 @!p0 $0x0, s1;
	[sflag:s0] =	ssyncset.done @!p0 $0x0  }
0x81: {  	[sflag:s0] =	ssyncadd.s32 @!p0 s1  }
0x82: {  	[bflag:$0x3] =	sbarrier.arrive $0xFFFF  }
0x83: {  	_ =	shalt  }

</sc_bundles>
